<compile_context>
chip_gen: v7x
topology: tpu7x:2x2x1
jax: 0.10.2.dev20260603
libtpu: 0.0.44.dev20260713+nightly
codegen_flags: <defaults>
</compile_context>

<pallas_src>
import functools
import jax
import jax.numpy as jnp
from jax import lax
from jax.experimental import pallas as pl
from jax.experimental.pallas import tpu as pltpu
import jax.experimental.pallas.tpu_sc as plsc

_NUM_ACTIONS = 1000
_S = 256
_ROW = _S + _NUM_ACTIONS

_NC = 2
_NS = 16
_L = 16
_NW = _NC * _NS


def _dense_t_body(flat_t_ref, out_ref):
    C = out_ref.shape[1]
    out_ref[:_S, :] = flat_t_ref[...]
    out_ref[_S:, :] = jnp.zeros((_NUM_ACTIONS, C), jnp.float32)


def _dense_t(flat_t, B):
    C = 2048
    return pl.pallas_call(
        _dense_t_body,
        grid=(B // C,),
        in_specs=[pl.BlockSpec((_S, C), lambda i: (0, i))],
        out_specs=pl.BlockSpec((_ROW, C), lambda i: (0, i)),
        out_shape=jax.ShapeDtypeStruct((_ROW, B), jnp.float32),
        compiler_params=pltpu.CompilerParams(dimension_semantics=("arbitrary",)),
    )(flat_t)


def _make_sc_scatter(B):
    per_w = B // _NW
    mesh = plsc.VectorSubcoreMesh(core_axis_name="c", subcore_axis_name="s")

    @functools.partial(
        pl.kernel,
        out_type=(),
        mesh=mesh,
        scratch_types=[
            pltpu.VMEM((per_w,), jnp.int32),
            pltpu.VMEM((per_w,), jnp.int32),
            pltpu.VMEM((per_w,), jnp.float32),
            pltpu.SemaphoreType.DMA,
            pltpu.SemaphoreType.DMA,
        ],
    )
    def sc_scatter(actions_hbm, out1d_ref, act_v, idx_v, ones_v, asem, ssem):
        wid = lax.axis_index("s") * _NC + lax.axis_index("c")
        base = wid * per_w
        acopy = pltpu.make_async_copy(
            actions_hbm.at[pl.ds(base, per_w)], act_v, asem
        )
        acopy.start()
        for j in range(per_w // _L):
            ones_v[pl.ds(j * _L, _L)] = jnp.full((_L,), 1.0, jnp.float32)
        acopy.wait()
        for j in range(per_w // _L):
            a = act_v[pl.ds(j * _L, _L)]
            b = (base + j * _L) + lax.broadcasted_iota(jnp.int32, (_L,), 0)
            r = a + _S
            p = (
                ((((r >> 3) << 7) | (b >> 7)) << 10)
                | ((r & 7) << 7)
                | (b & 127)
            )
            idx_v[pl.ds(j * _L, _L)] = p
        pltpu.async_copy(ones_v, out1d_ref.at[idx_v], ssem).wait()

    return sc_scatter


def kernel(states, actions):
    B = states.shape[0]
    flat_t = states.reshape(B, _S).T
    dense_t = _dense_t(flat_t, B)
    view1d = (
        dense_t.reshape(_ROW // 8, 8, B // 128, 128)
        .transpose(0, 2, 1, 3)
        .reshape(_ROW * B)
    )
    out_ref = jax.new_ref(view1d)
    _make_sc_scatter(B)(actions.astype(jnp.int32), out_ref)
    res = out_ref[...]
    out_t = (
        res.reshape(_ROW // 8, B // 128, 8, 128)
        .transpose(0, 2, 1, 3)
        .reshape(_ROW, B)
    )
    return out_t.T

# --- scband reference (transcript-rebuilt; emitter-appended) ---
"""Pipeline reference for scband-flat-states-one-hot-actions-23768349016134 (READ-ONLY COPY).

The authoritative reference and input builder live on the scoring server;
editing this copy changes nothing except your own understanding.
"""

import jax, jax.numpy as jnp
import numpy as np

NUM_ACTIONS = 1000

def setup_inputs(seed: int = 0) -> dict:
    key = jax.random.key(seed)
    k1, k2 = jax.random.split(key)
    states = jax.random.normal(k1, (16384, 4, 64), dtype=jnp.float32)
    actions = jax.random.randint(k2, (16384,), 0, NUM_ACTIONS, dtype=jnp.int64 if jax.config.read('jax_enable_x64') else jnp.int32).astype(jnp.int32)
    return {"states": states, "actions": actions}

def reference(states, actions):
    # flatten_states_: torch.flatten(states, 1)
    flat_states = jnp.reshape(states, (states.shape[0], -1))
    # one_hot_actions_: scatter-overwrite 1.0 into zeros[B, num_actions]
    B = actions.shape[0]
    one_hot = jnp.zeros((B, NUM_ACTIONS), dtype=jnp.float32)
    one_hot = one_hot.at[jnp.arange(B), actions].set(1.0)
    # concat_states_and_actions_
    return jnp.concatenate((flat_states, one_hot), axis=1)

if __name__ == "__main__":
    import jax
    _d = setup_inputs()
    print(jax.jit(kernel)(*tuple(_d.values())))

</pallas_src>

<mosaic_0001>
#map = affine_map<(d0, d1) -> (0)>
module attributes {stable_mosaic.version = 14 : i64} {
  func.func @new_body(%arg0: i32, %arg1: i32, %arg2: memref<16384xi32, #tpu.memory_space<hbm>>, %arg3: memref<20578304xf32, #tpu.memory_space<hbm>>, %arg4: memref<20578304xf32, #tpu.memory_space<hbm>>, %arg5: memref<512xi32, #tpu.memory_space<vmem>>, %arg6: memref<512xi32, #tpu.memory_space<vmem>>, %arg7: memref<512xf32, #tpu.memory_space<vmem>>, %arg8: memref<!tpu.dma_semaphore, #tpu.memory_space<semaphore_mem>>, %arg9: memref<!tpu.dma_semaphore, #tpu.memory_space<semaphore_mem>>) attributes {dimension_semantics = [#tpu.dimension_semantics<core_parallel>, #tpu.dimension_semantics<subcore_parallel>], iteration_bounds = array<i64: 2, 16>, scalar_prefetch = 0 : i64, scratch_operands = 5 : i64, tpu.core_type = #tpu.core_type<sc_vector_subcore>, window_params = [{transform_indices = #map}, {transform_indices = #map}, {transform_indices = #map}]} {
    %mul3A = arith.constant 2 : i32
    %mul3A_0 = arith.muli %arg1, %mul3A : i32
    %add3A = arith.addi %mul3A_0, %arg0 : i32
    %mul3A_1 = arith.constant 512 : i32
    %mul3A_2 = arith.muli %add3A, %mul3A_1 : i32
    %dma_start3A = tpu.memref_slice %arg2[%mul3A_2] : memref<16384xi32, #tpu.memory_space<hbm>> -> memref<512xi32, #tpu.memory_space<hbm>>
    %dma_start3A_3 = tpu.memref_slice %arg2[%mul3A_2] : memref<16384xi32, #tpu.memory_space<hbm>> -> memref<512xi32, #tpu.memory_space<hbm>>
    tpu.enqueue_dma source(%dma_start3A_3 : memref<512xi32, #tpu.memory_space<hbm>>) target(%arg5 : memref<512xi32, #tpu.memory_space<vmem>>) target_semaphore(%arg8 : memref<!tpu.dma_semaphore, #tpu.memory_space<semaphore_mem>>)
    %broadcast_in_dim3A = arith.constant 1.000000e+00 : f32
    %broadcast_in_dim3A_4 = vector.broadcast %broadcast_in_dim3A : f32 to vector<16xf32>
    %swap3A = arith.constant 0 : index
    %swap3A_5 = tpu.vector_load %arg7[%swap3A] {strides = array<i32>} : memref<512xf32, #tpu.memory_space<vmem>>, vector<16xf32>,
    %swap3A_6 = vector.shape_cast %swap3A_5 : vector<16xf32> to vector<16xf32>
    %swap3A_7 = vector.shape_cast %broadcast_in_dim3A_4 : vector<16xf32> to vector<16xf32>
    tpu.vector_store %arg7[%swap3A], %swap3A_7 {strides = array<i32>} : memref<512xf32, #tpu.memory_space<vmem>>, vector<16xf32>,
    %broadcast_in_dim3A_8 = arith.constant 1.000000e+00 : f32
    %broadcast_in_dim3A_9 = vector.broadcast %broadcast_in_dim3A_8 : f32 to vector<16xf32>
    %swap3A_10 = arith.constant 16 : index
    %swap3A_11 = tpu.vector_load %arg7[%swap3A_10] {strides = array<i32>} : memref<512xf32, #tpu.memory_space<vmem>>, vector<16xf32>,
    %swap3A_12 = vector.shape_cast %swap3A_11 : vector<16xf32> to vector<16xf32>
    %swap3A_13 = vector.shape_cast %broadcast_in_dim3A_9 : vector<16xf32> to vector<16xf32>
    tpu.vector_store %arg7[%swap3A_10], %swap3A_13 {strides = array<i32>} : memref<512xf32, #tpu.memory_space<vmem>>, vector<16xf32>,
    %broadcast_in_dim3A_14 = arith.constant 1.000000e+00 : f32
    %broadcast_in_dim3A_15 = vector.broadcast %broadcast_in_dim3A_14 : f32 to vector<16xf32>
    %swap3A_16 = arith.constant 32 : index
    %swap3A_17 = tpu.vector_load %arg7[%swap3A_16] {strides = array<i32>} : memref<512xf32, #tpu.memory_space<vmem>>, vector<16xf32>,
    %swap3A_18 = vector.shape_cast %swap3A_17 : vector<16xf32> to vector<16xf32>
    %swap3A_19 = vector.shape_cast %broadcast_in_dim3A_15 : vector<16xf32> to vector<16xf32>
    tpu.vector_store %arg7[%swap3A_16], %swap3A_19 {strides = array<i32>} : memref<512xf32, #tpu.memory_space<vmem>>, vector<16xf32>,
    %broadcast_in_dim3A_20 = arith.constant 1.000000e+00 : f32
    %broadcast_in_dim3A_21 = vector.broadcast %broadcast_in_dim3A_20 : f32 to vector<16xf32>
    %swap3A_22 = arith.constant 48 : index
    %swap3A_23 = tpu.vector_load %arg7[%swap3A_22] {strides = array<i32>} : memref<512xf32, #tpu.memory_space<vmem>>, vector<16xf32>,
    %swap3A_24 = vector.shape_cast %swap3A_23 : vector<16xf32> to vector<16xf32>
    %swap3A_25 = vector.shape_cast %broadcast_in_dim3A_21 : vector<16xf32> to vector<16xf32>
    tpu.vector_store %arg7[%swap3A_22], %swap3A_25 {strides = array<i32>} : memref<512xf32, #tpu.memory_space<vmem>>, vector<16xf32>,
    %broadcast_in_dim3A_26 = arith.constant 1.000000e+00 : f32
    %broadcast_in_dim3A_27 = vector.broadcast %broadcast_in_dim3A_26 : f32 to vector<16xf32>
    %swap3A_28 = arith.constant 64 : index
    %swap3A_29 = tpu.vector_load %arg7[%swap3A_28] {strides = array<i32>} : memref<512xf32, #tpu.memory_space<vmem>>, vector<16xf32>,
    %swap3A_30 = vector.shape_cast %swap3A_29 : vector<16xf32> to vector<16xf32>
    %swap3A_31 = vector.shape_cast %broadcast_in_dim3A_27 : vector<16xf32> to vector<16xf32>
    tpu.vector_store %arg7[%swap3A_28], %swap3A_31 {strides = array<i32>} : memref<512xf32, #tpu.memory_space<vmem>>, vector<16xf32>,
    %broadcast_in_dim3A_32 = arith.constant 1.000000e+00 : f32
    %broadcast_in_dim3A_33 = vector.broadcast %broadcast_in_dim3A_32 : f32 to vector<16xf32>
    %swap3A_34 = arith.constant 80 : index
    %swap3A_35 = tpu.vector_load %arg7[%swap3A_34] {strides = array<i32>} : memref<512xf32, #tpu.memory_space<vmem>>, vector<16xf32>,
    %swap3A_36 = vector.shape_cast %swap3A_35 : vector<16xf32> to vector<16xf32>
    %swap3A_37 = vector.shape_cast %broadcast_in_dim3A_33 : vector<16xf32> to vector<16xf32>
    tpu.vector_store %arg7[%swap3A_34], %swap3A_37 {strides = array<i32>} : memref<512xf32, #tpu.memory_space<vmem>>, vector<16xf32>,
    %broadcast_in_dim3A_38 = arith.constant 1.000000e+00 : f32
    %broadcast_in_dim3A_39 = vector.broadcast %broadcast_in_dim3A_38 : f32 to vector<16xf32>
    %swap3A_40 = arith.constant 96 : index
    %swap3A_41 = tpu.vector_load %arg7[%swap3A_40] {strides = array<i32>} : memref<512xf32, #tpu.memory_space<vmem>>, vector<16xf32>,
    %swap3A_42 = vector.shape_cast %swap3A_41 : vector<16xf32> to vector<16xf32>
    %swap3A_43 = vector.shape_cast %broadcast_in_dim3A_39 : vector<16xf32> to vector<16xf32>
    tpu.vector_store %arg7[%swap3A_40], %swap3A_43 {strides = array<i32>} : memref<512xf32, #tpu.memory_space<vmem>>, vector<16xf32>,
    %broadcast_in_dim3A_44 = arith.constant 1.000000e+00 : f32
    %broadcast_in_dim3A_45 = vector.broadcast %broadcast_in_dim3A_44 : f32 to vector<16xf32>
    %swap3A_46 = arith.constant 112 : index
    %swap3A_47 = tpu.vector_load %arg7[%swap3A_46] {strides = array<i32>} : memref<512xf32, #tpu.memory_space<vmem>>, vector<16xf32>,
    %swap3A_48 = vector.shape_cast %swap3A_47 : vector<16xf32> to vector<16xf32>
    %swap3A_49 = vector.shape_cast %broadcast_in_dim3A_45 : vector<16xf32> to vector<16xf32>
    tpu.vector_store %arg7[%swap3A_46], %swap3A_49 {strides = array<i32>} : memref<512xf32, #tpu.memory_space<vmem>>, vector<16xf32>,
    %broadcast_in_dim3A_50 = arith.constant 1.000000e+00 : f32
    %broadcast_in_dim3A_51 = vector.broadcast %broadcast_in_dim3A_50 : f32 to vector<16xf32>
    %swap3A_52 = arith.constant 128 : index
    %swap3A_53 = tpu.vector_load %arg7[%swap3A_52] {strides = array<i32>} : memref<512xf32, #tpu.memory_space<vmem>>, vector<16xf32>,
    %swap3A_54 = vector.shape_cast %swap3A_53 : vector<16xf32> to vector<16xf32>
    %swap3A_55 = vector.shape_cast %broadcast_in_dim3A_51 : vector<16xf32> to vector<16xf32>
    tpu.vector_store %arg7[%swap3A_52], %swap3A_55 {strides = array<i32>} : memref<512xf32, #tpu.memory_space<vmem>>, vector<16xf32>,
    %broadcast_in_dim3A_56 = arith.constant 1.000000e+00 : f32
    %broadcast_in_dim3A_57 = vector.broadcast %broadcast_in_dim3A_56 : f32 to vector<16xf32>
    %swap3A_58 = arith.constant 144 : index
    %swap3A_59 = tpu.vector_load %arg7[%swap3A_58] {strides = array<i32>} : memref<512xf32, #tpu.memory_space<vmem>>, vector<16xf32>,
    %swap3A_60 = vector.shape_cast %swap3A_59 : vector<16xf32> to vector<16xf32>
    %swap3A_61 = vector.shape_cast %broadcast_in_dim3A_57 : vector<16xf32> to vector<16xf32>
    tpu.vector_store %arg7[%swap3A_58], %swap3A_61 {strides = array<i32>} : memref<512xf32, #tpu.memory_space<vmem>>, vector<16xf32>,
    %broadcast_in_dim3A_62 = arith.constant 1.000000e+00 : f32
    %broadcast_in_dim3A_63 = vector.broadcast %broadcast_in_dim3A_62 : f32 to vector<16xf32>
    %swap3A_64 = arith.constant 160 : index
    %swap3A_65 = tpu.vector_load %arg7[%swap3A_64] {strides = array<i32>} : memref<512xf32, #tpu.memory_space<vmem>>, vector<16xf32>,
    %swap3A_66 = vector.shape_cast %swap3A_65 : vector<16xf32> to vector<16xf32>
    %swap3A_67 = vector.shape_cast %broadcast_in_dim3A_63 : vector<16xf32> to vector<16xf32>
    tpu.vector_store %arg7[%swap3A_64], %swap3A_67 {strides = array<i32>} : memref<512xf32, #tpu.memory_space<vmem>>, vector<16xf32>,
    %broadcast_in_dim3A_68 = arith.constant 1.000000e+00 : f32
    %broadcast_in_dim3A_69 = vector.broadcast %broadcast_in_dim3A_68 : f32 to vector<16xf32>
    %swap3A_70 = arith.constant 176 : index
    %swap3A_71 = tpu.vector_load %arg7[%swap3A_70] {strides = array<i32>} : memref<512xf32, #tpu.memory_space<vmem>>, vector<16xf32>,
    %swap3A_72 = vector.shape_cast %swap3A_71 : vector<16xf32> to vector<16xf32>
    %swap3A_73 = vector.shape_cast %broadcast_in_dim3A_69 : vector<16xf32> to vector<16xf32>
    tpu.vector_store %arg7[%swap3A_70], %swap3A_73 {strides = array<i32>} : memref<512xf32, #tpu.memory_space<vmem>>, vector<16xf32>,
    %broadcast_in_dim3A_74 = arith.constant 1.000000e+00 : f32
    %broadcast_in_dim3A_75 = vector.broadcast %broadcast_in_dim3A_74 : f32 to vector<16xf32>
    %swap3A_76 = arith.constant 192 : index
    %swap3A_77 = tpu.vector_load %arg7[%swap3A_76] {strides = array<i32>} : memref<512xf32, #tpu.memory_space<vmem>>, vector<16xf32>,
    %swap3A_78 = vector.shape_cast %swap3A_77 : vector<16xf32> to vector<16xf32>
    %swap3A_79 = vector.shape_cast %broadcast_in_dim3A_75 : vector<16xf32> to vector<16xf32>
    tpu.vector_store %arg7[%swap3A_76], %swap3A_79 {strides = array<i32>} : memref<512xf32, #tpu.memory_space<vmem>>, vector<16xf32>,
    %broadcast_in_dim3A_80 = arith.constant 1.000000e+00 : f32
    %broadcast_in_dim3A_81 = vector.broadcast %broadcast_in_dim3A_80 : f32 to vector<16xf32>
    %swap3A_82 = arith.constant 208 : index
    %swap3A_83 = tpu.vector_load %arg7[%swap3A_82] {strides = array<i32>} : memref<512xf32, #tpu.memory_space<vmem>>, vector<16xf32>,
    %swap3A_84 = vector.shape_cast %swap3A_83 : vector<16xf32> to vector<16xf32>
    %swap3A_85 = vector.shape_cast %broadcast_in_dim3A_81 : vector<16xf32> to vector<16xf32>
    tpu.vector_store %arg7[%swap3A_82], %swap3A_85 {strides = array<i32>} : memref<512xf32, #tpu.memory_space<vmem>>, vector<16xf32>,
    %broadcast_in_dim3A_86 = arith.constant 1.000000e+00 : f32
    %broadcast_in_dim3A_87 = vector.broadcast %broadcast_in_dim3A_86 : f32 to vector<16xf32>
    %swap3A_88 = arith.constant 224 : index
    %swap3A_89 = tpu.vector_load %arg7[%swap3A_88] {strides = array<i32>} : memref<512xf32, #tpu.memory_space<vmem>>, vector<16xf32>,
    %swap3A_90 = vector.shape_cast %swap3A_89 : vector<16xf32> to vector<16xf32>
    %swap3A_91 = vector.shape_cast %broadcast_in_dim3A_87 : vector<16xf32> to vector<16xf32>
    tpu.vector_store %arg7[%swap3A_88], %swap3A_91 {strides = array<i32>} : memref<512xf32, #tpu.memory_space<vmem>>, vector<16xf32>,
    %broadcast_in_dim3A_92 = arith.constant 1.000000e+00 : f32
    %broadcast_in_dim3A_93 = vector.broadcast %broadcast_in_dim3A_92 : f32 to vector<16xf32>
    %swap3A_94 = arith.constant 240 : index
    %swap3A_95 = tpu.vector_load %arg7[%swap3A_94] {strides = array<i32>} : memref<512xf32, #tpu.memory_space<vmem>>, vector<16xf32>,
    %swap3A_96 = vector.shape_cast %swap3A_95 : vector<16xf32> to vector<16xf32>
    %swap3A_97 = vector.shape_cast %broadcast_in_dim3A_93 : vector<16xf32> to vector<16xf32>
    tpu.vector_store %arg7[%swap3A_94], %swap3A_97 {strides = array<i32>} : memref<512xf32, #tpu.memory_space<vmem>>, vector<16xf32>,
    %broadcast_in_dim3A_98 = arith.constant 1.000000e+00 : f32
    %broadcast_in_dim3A_99 = vector.broadcast %broadcast_in_dim3A_98 : f32 to vector<16xf32>
    %swap3A_100 = arith.constant 256 : index
    %swap3A_101 = tpu.vector_load %arg7[%swap3A_100] {strides = array<i32>} : memref<512xf32, #tpu.memory_space<vmem>>, vector<16xf32>,
    %swap3A_102 = vector.shape_cast %swap3A_101 : vector<16xf32> to vector<16xf32>
    %swap3A_103 = vector.shape_cast %broadcast_in_dim3A_99 : vector<16xf32> to vector<16xf32>
    tpu.vector_store %arg7[%swap3A_100], %swap3A_103 {strides = array<i32>} : memref<512xf32, #tpu.memory_space<vmem>>, vector<16xf32>,
    %broadcast_in_dim3A_104 = arith.constant 1.000000e+00 : f32
    %broadcast_in_dim3A_105 = vector.broadcast %broadcast_in_dim3A_104 : f32 to vector<16xf32>
    %swap3A_106 = arith.constant 272 : index
    %swap3A_107 = tpu.vector_load %arg7[%swap3A_106] {strides = array<i32>} : memref<512xf32, #tpu.memory_space<vmem>>, vector<16xf32>,
    %swap3A_108 = vector.shape_cast %swap3A_107 : vector<16xf32> to vector<16xf32>
    %swap3A_109 = vector.shape_cast %broadcast_in_dim3A_105 : vector<16xf32> to vector<16xf32>
    tpu.vector_store %arg7[%swap3A_106], %swap3A_109 {strides = array<i32>} : memref<512xf32, #tpu.memory_space<vmem>>, vector<16xf32>,
    %broadcast_in_dim3A_110 = arith.constant 1.000000e+00 : f32
    %broadcast_in_dim3A_111 = vector.broadcast %broadcast_in_dim3A_110 : f32 to vector<16xf32>
    %swap3A_112 = arith.constant 288 : index
    %swap3A_113 = tpu.vector_load %arg7[%swap3A_112] {strides = array<i32>} : memref<512xf32, #tpu.memory_space<vmem>>, vector<16xf32>,
    %swap3A_114 = vector.shape_cast %swap3A_113 : vector<16xf32> to vector<16xf32>
    %swap3A_115 = vector.shape_cast %broadcast_in_dim3A_111 : vector<16xf32> to vector<16xf32>
    tpu.vector_store %arg7[%swap3A_112], %swap3A_115 {strides = array<i32>} : memref<512xf32, #tpu.memory_space<vmem>>, vector<16xf32>,
    %broadcast_in_dim3A_116 = arith.constant 1.000000e+00 : f32
    %broadcast_in_dim3A_117 = vector.broadcast %broadcast_in_dim3A_116 : f32 to vector<16xf32>
    %swap3A_118 = arith.constant 304 : index
    %swap3A_119 = tpu.vector_load %arg7[%swap3A_118] {strides = array<i32>} : memref<512xf32, #tpu.memory_space<vmem>>, vector<16xf32>,
    %swap3A_120 = vector.shape_cast %swap3A_119 : vector<16xf32> to vector<16xf32>
    %swap3A_121 = vector.shape_cast %broadcast_in_dim3A_117 : vector<16xf32> to vector<16xf32>
    tpu.vector_store %arg7[%swap3A_118], %swap3A_121 {strides = array<i32>} : memref<512xf32, #tpu.memory_space<vmem>>, vector<16xf32>,
    %broadcast_in_dim3A_122 = arith.constant 1.000000e+00 : f32
    %broadcast_in_dim3A_123 = vector.broadcast %broadcast_in_dim3A_122 : f32 to vector<16xf32>
    %swap3A_124 = arith.constant 320 : index
    %swap3A_125 = tpu.vector_load %arg7[%swap3A_124] {strides = array<i32>} : memref<512xf32, #tpu.memory_space<vmem>>, vector<16xf32>,
    %swap3A_126 = vector.shape_cast %swap3A_125 : vector<16xf32> to vector<16xf32>
    %swap3A_127 = vector.shape_cast %broadcast_in_dim3A_123 : vector<16xf32> to vector<16xf32>
    tpu.vector_store %arg7[%swap3A_124], %swap3A_127 {strides = array<i32>} : memref<512xf32, #tpu.memory_space<vmem>>, vector<16xf32>,
    %broadcast_in_dim3A_128 = arith.constant 1.000000e+00 : f32
    %broadcast_in_dim3A_129 = vector.broadcast %broadcast_in_dim3A_128 : f32 to vector<16xf32>
    %swap3A_130 = arith.constant 336 : index
    %swap3A_131 = tpu.vector_load %arg7[%swap3A_130] {strides = array<i32>} : memref<512xf32, #tpu.memory_space<vmem>>, vector<16xf32>,
    %swap3A_132 = vector.shape_cast %swap3A_131 : vector<16xf32> to vector<16xf32>
    %swap3A_133 = vector.shape_cast %broadcast_in_dim3A_129 : vector<16xf32> to vector<16xf32>
    tpu.vector_store %arg7[%swap3A_130], %swap3A_133 {strides = array<i32>} : memref<512xf32, #tpu.memory_space<vmem>>, vector<16xf32>,
    %broadcast_in_dim3A_134 = arith.constant 1.000000e+00 : f32
    %broadcast_in_dim3A_135 = vector.broadcast %broadcast_in_dim3A_134 : f32 to vector<16xf32>
    %swap3A_136 = arith.constant 352 : index
    %swap3A_137 = tpu.vector_load %arg7[%swap3A_136] {strides = array<i32>} : memref<512xf32, #tpu.memory_space<vmem>>, vector<16xf32>,
    %swap3A_138 = vector.shape_cast %swap3A_137 : vector<16xf32> to vector<16xf32>
    %swap3A_139 = vector.shape_cast %broadcast_in_dim3A_135 : vector<16xf32> to vector<16xf32>
    tpu.vector_store %arg7[%swap3A_136], %swap3A_139 {strides = array<i32>} : memref<512xf32, #tpu.memory_space<vmem>>, vector<16xf32>,
    %broadcast_in_dim3A_140 = arith.constant 1.000000e+00 : f32
    %broadcast_in_dim3A_141 = vector.broadcast %broadcast_in_dim3A_140 : f32 to vector<16xf32>
    %swap3A_142 = arith.constant 368 : index
    %swap3A_143 = tpu.vector_load %arg7[%swap3A_142] {strides = array<i32>} : memref<512xf32, #tpu.memory_space<vmem>>, vector<16xf32>,
    %swap3A_144 = vector.shape_cast %swap3A_143 : vector<16xf32> to vector<16xf32>
    %swap3A_145 = vector.shape_cast %broadcast_in_dim3A_141 : vector<16xf32> to vector<16xf32>
    tpu.vector_store %arg7[%swap3A_142], %swap3A_145 {strides = array<i32>} : memref<512xf32, #tpu.memory_space<vmem>>, vector<16xf32>,
    %broadcast_in_dim3A_146 = arith.constant 1.000000e+00 : f32
    %broadcast_in_dim3A_147 = vector.broadcast %broadcast_in_dim3A_146 : f32 to vector<16xf32>
    %swap3A_148 = arith.constant 384 : index
    %swap3A_149 = tpu.vector_load %arg7[%swap3A_148] {strides = array<i32>} : memref<512xf32, #tpu.memory_space<vmem>>, vector<16xf32>,
    %swap3A_150 = vector.shape_cast %swap3A_149 : vector<16xf32> to vector<16xf32>
    %swap3A_151 = vector.shape_cast %broadcast_in_dim3A_147 : vector<16xf32> to vector<16xf32>
    tpu.vector_store %arg7[%swap3A_148], %swap3A_151 {strides = array<i32>} : memref<512xf32, #tpu.memory_space<vmem>>, vector<16xf32>,
    %broadcast_in_dim3A_152 = arith.constant 1.000000e+00 : f32
    %broadcast_in_dim3A_153 = vector.broadcast %broadcast_in_dim3A_152 : f32 to vector<16xf32>
    %swap3A_154 = arith.constant 400 : index
    %swap3A_155 = tpu.vector_load %arg7[%swap3A_154] {strides = array<i32>} : memref<512xf32, #tpu.memory_space<vmem>>, vector<16xf32>,
    %swap3A_156 = vector.shape_cast %swap3A_155 : vector<16xf32> to vector<16xf32>
    %swap3A_157 = vector.shape_cast %broadcast_in_dim3A_153 : vector<16xf32> to vector<16xf32>
    tpu.vector_store %arg7[%swap3A_154], %swap3A_157 {strides = array<i32>} : memref<512xf32, #tpu.memory_space<vmem>>, vector<16xf32>,
    %broadcast_in_dim3A_158 = arith.constant 1.000000e+00 : f32
    %broadcast_in_dim3A_159 = vector.broadcast %broadcast_in_dim3A_158 : f32 to vector<16xf32>
    %swap3A_160 = arith.constant 416 : index
    %swap3A_161 = tpu.vector_load %arg7[%swap3A_160] {strides = array<i32>} : memref<512xf32, #tpu.memory_space<vmem>>, vector<16xf32>,
    %swap3A_162 = vector.shape_cast %swap3A_161 : vector<16xf32> to vector<16xf32>
    %swap3A_163 = vector.shape_cast %broadcast_in_dim3A_159 : vector<16xf32> to vector<16xf32>
    tpu.vector_store %arg7[%swap3A_160], %swap3A_163 {strides = array<i32>} : memref<512xf32, #tpu.memory_space<vmem>>, vector<16xf32>,
    %broadcast_in_dim3A_164 = arith.constant 1.000000e+00 : f32
    %broadcast_in_dim3A_165 = vector.broadcast %broadcast_in_dim3A_164 : f32 to vector<16xf32>
    %swap3A_166 = arith.constant 432 : index
    %swap3A_167 = tpu.vector_load %arg7[%swap3A_166] {strides = array<i32>} : memref<512xf32, #tpu.memory_space<vmem>>, vector<16xf32>,
    %swap3A_168 = vector.shape_cast %swap3A_167 : vector<16xf32> to vector<16xf32>
    %swap3A_169 = vector.shape_cast %broadcast_in_dim3A_165 : vector<16xf32> to vector<16xf32>
    tpu.vector_store %arg7[%swap3A_166], %swap3A_169 {strides = array<i32>} : memref<512xf32, #tpu.memory_space<vmem>>, vector<16xf32>,
    %broadcast_in_dim3A_170 = arith.constant 1.000000e+00 : f32
    %broadcast_in_dim3A_171 = vector.broadcast %broadcast_in_dim3A_170 : f32 to vector<16xf32>
    %swap3A_172 = arith.constant 448 : index
    %swap3A_173 = tpu.vector_load %arg7[%swap3A_172] {strides = array<i32>} : memref<512xf32, #tpu.memory_space<vmem>>, vector<16xf32>,
    %swap3A_174 = vector.shape_cast %swap3A_173 : vector<16xf32> to vector<16xf32>
    %swap3A_175 = vector.shape_cast %broadcast_in_dim3A_171 : vector<16xf32> to vector<16xf32>
    tpu.vector_store %arg7[%swap3A_172], %swap3A_175 {strides = array<i32>} : memref<512xf32, #tpu.memory_space<vmem>>, vector<16xf32>,
    %broadcast_in_dim3A_176 = arith.constant 1.000000e+00 : f32
    %broadcast_in_dim3A_177 = vector.broadcast %broadcast_in_dim3A_176 : f32 to vector<16xf32>
    %swap3A_178 = arith.constant 464 : index
    %swap3A_179 = tpu.vector_load %arg7[%swap3A_178] {strides = array<i32>} : memref<512xf32, #tpu.memory_space<vmem>>, vector<16xf32>,
    %swap3A_180 = vector.shape_cast %swap3A_179 : vector<16xf32> to vector<16xf32>
    %swap3A_181 = vector.shape_cast %broadcast_in_dim3A_177 : vector<16xf32> to vector<16xf32>
    tpu.vector_store %arg7[%swap3A_178], %swap3A_181 {strides = array<i32>} : memref<512xf32, #tpu.memory_space<vmem>>, vector<16xf32>,
    %broadcast_in_dim3A_182 = arith.constant 1.000000e+00 : f32
    %broadcast_in_dim3A_183 = vector.broadcast %broadcast_in_dim3A_182 : f32 to vector<16xf32>
    %swap3A_184 = arith.constant 480 : index
    %swap3A_185 = tpu.vector_load %arg7[%swap3A_184] {strides = array<i32>} : memref<512xf32, #tpu.memory_space<vmem>>, vector<16xf32>,
    %swap3A_186 = vector.shape_cast %swap3A_185 : vector<16xf32> to vector<16xf32>
    %swap3A_187 = vector.shape_cast %broadcast_in_dim3A_183 : vector<16xf32> to vector<16xf32>
    tpu.vector_store %arg7[%swap3A_184], %swap3A_187 {strides = array<i32>} : memref<512xf32, #tpu.memory_space<vmem>>, vector<16xf32>,
    %broadcast_in_dim3A_188 = arith.constant 1.000000e+00 : f32
    %broadcast_in_dim3A_189 = vector.broadcast %broadcast_in_dim3A_188 : f32 to vector<16xf32>
    %swap3A_190 = arith.constant 496 : index
    %swap3A_191 = tpu.vector_load %arg7[%swap3A_190] {strides = array<i32>} : memref<512xf32, #tpu.memory_space<vmem>>, vector<16xf32>,
    %swap3A_192 = vector.shape_cast %swap3A_191 : vector<16xf32> to vector<16xf32>
    %swap3A_193 = vector.shape_cast %broadcast_in_dim3A_189 : vector<16xf32> to vector<16xf32>
    tpu.vector_store %arg7[%swap3A_190], %swap3A_193 {strides = array<i32>} : memref<512xf32, #tpu.memory_space<vmem>>, vector<16xf32>,
    %dma_wait3A = tpu.memref_slice %arg2[%mul3A_2] : memref<16384xi32, #tpu.memory_space<hbm>> -> memref<512xi32, #tpu.memory_space<hbm>>
    %dma_wait3A_194 = tpu.memref_slice %arg2[%mul3A_2] : memref<16384xi32, #tpu.memory_space<hbm>> -> memref<512xi32, #tpu.memory_space<hbm>>
    tpu.wait_dma2 semaphore(%arg8 : memref<!tpu.dma_semaphore, #tpu.memory_space<semaphore_mem>>) src(%dma_wait3A_194 : memref<512xi32, #tpu.memory_space<hbm>>) dst(%arg5 : memref<512xi32, #tpu.memory_space<vmem>>)
    %get3A = arith.constant 0 : index
    %get3A_195 = tpu.vector_load %arg5[%get3A] {strides = array<i32>} : memref<512xi32, #tpu.memory_space<vmem>>, vector<16xi32>,
    %get3A_196 = vector.shape_cast %get3A_195 : vector<16xi32> to vector<16xi32>
    %add3A_197 = arith.constant 0 : i32
    %add3A_198 = arith.addi %mul3A_2, %add3A_197 : i32
    %iota3A = tpu.iota {dimensions = array<i32: 0>} : vector<16xi32>
    %add3A_199 = vector.broadcast %add3A_198 : i32 to vector<16xi32>
    %add3A_200 = arith.addi %add3A_199, %iota3A : vector<16xi32>
    %add3A_201 = arith.constant 256 : i32
    %add3A_202 = vector.broadcast %add3A_201 : i32 to vector<16xi32>
    %add3A_203 = arith.addi %get3A_196, %add3A_202 : vector<16xi32>
    %shift_right_arithmetic3A = arith.constant 3 : i32
    %shift_right_arithmetic3A_204 = vector.broadcast %shift_right_arithmetic3A : i32 to vector<16xi32>
    %shift_right_arithmetic3A_205 = arith.shrsi %add3A_203, %shift_right_arithmetic3A_204 : vector<16xi32>
    %shift_left3A = arith.constant 7 : i32
    %shift_left3A_206 = vector.broadcast %shift_left3A : i32 to vector<16xi32>
    %shift_left3A_207 = arith.shli %shift_right_arithmetic3A_205, %shift_left3A_206 : vector<16xi32>
    %shift_right_arithmetic3A_208 = arith.constant 7 : i32
    %shift_right_arithmetic3A_209 = vector.broadcast %shift_right_arithmetic3A_208 : i32 to vector<16xi32>
    %shift_right_arithmetic3A_210 = arith.shrsi %add3A_200, %shift_right_arithmetic3A_209 : vector<16xi32>
    %or3A = arith.ori %shift_left3A_207, %shift_right_arithmetic3A_210 : vector<16xi32>
    %shift_left3A_211 = arith.constant 10 : i32
    %shift_left3A_212 = vector.broadcast %shift_left3A_211 : i32 to vector<16xi32>
    %shift_left3A_213 = arith.shli %or3A, %shift_left3A_212 : vector<16xi32>
    %and3A = arith.constant 7 : i32
    %and3A_214 = vector.broadcast %and3A : i32 to vector<16xi32>
    %and3A_215 = arith.andi %add3A_203, %and3A_214 : vector<16xi32>
    %shift_left3A_216 = arith.constant 7 : i32
    %shift_left3A_217 = vector.broadcast %shift_left3A_216 : i32 to vector<16xi32>
    %shift_left3A_218 = arith.shli %and3A_215, %shift_left3A_217 : vector<16xi32>
    %or3A_219 = arith.ori %shift_left3A_213, %shift_left3A_218 : vector<16xi32>
    %and3A_220 = arith.constant 127 : i32
    %and3A_221 = vector.broadcast %and3A_220 : i32 to vector<16xi32>
    %and3A_222 = arith.andi %add3A_200, %and3A_221 : vector<16xi32>
    %or3A_223 = arith.ori %or3A_219, %and3A_222 : vector<16xi32>
    %swap3A_224 = arith.constant 0 : index
    %swap3A_225 = tpu.vector_load %arg6[%swap3A_224] {strides = array<i32>} : memref<512xi32, #tpu.memory_space<vmem>>, vector<16xi32>,
    %swap3A_226 = vector.shape_cast %swap3A_225 : vector<16xi32> to vector<16xi32>
    %swap3A_227 = vector.shape_cast %or3A_223 : vector<16xi32> to vector<16xi32>
    tpu.vector_store %arg6[%swap3A_224], %swap3A_227 {strides = array<i32>} : memref<512xi32, #tpu.memory_space<vmem>>, vector<16xi32>,
    %get3A_228 = arith.constant 16 : index
    %get3A_229 = tpu.vector_load %arg5[%get3A_228] {strides = array<i32>} : memref<512xi32, #tpu.memory_space<vmem>>, vector<16xi32>,
    %get3A_230 = vector.shape_cast %get3A_229 : vector<16xi32> to vector<16xi32>
    %add3A_231 = arith.constant 16 : i32
    %add3A_232 = arith.addi %mul3A_2, %add3A_231 : i32
    %iota3A_233 = tpu.iota {dimensions = array<i32: 0>} : vector<16xi32>
    %add3A_234 = vector.broadcast %add3A_232 : i32 to vector<16xi32>
    %add3A_235 = arith.addi %add3A_234, %iota3A_233 : vector<16xi32>
    %add3A_236 = arith.constant 256 : i32
    %add3A_237 = vector.broadcast %add3A_236 : i32 to vector<16xi32>
    %add3A_238 = arith.addi %get3A_230, %add3A_237 : vector<16xi32>
    %shift_right_arithmetic3A_239 = arith.constant 3 : i32
    %shift_right_arithmetic3A_240 = vector.broadcast %shift_right_arithmetic3A_239 : i32 to vector<16xi32>
    %shift_right_arithmetic3A_241 = arith.shrsi %add3A_238, %shift_right_arithmetic3A_240 : vector<16xi32>
    %shift_left3A_242 = arith.constant 7 : i32
    %shift_left3A_243 = vector.broadcast %shift_left3A_242 : i32 to vector<16xi32>
    %shift_left3A_244 = arith.shli %shift_right_arithmetic3A_241, %shift_left3A_243 : vector<16xi32>
    %shift_right_arithmetic3A_245 = arith.constant 7 : i32
    %shift_right_arithmetic3A_246 = vector.broadcast %shift_right_arithmetic3A_245 : i32 to vector<16xi32>
    %shift_right_arithmetic3A_247 = arith.shrsi %add3A_235, %shift_right_arithmetic3A_246 : vector<16xi32>
    %or3A_248 = arith.ori %shift_left3A_244, %shift_right_arithmetic3A_247 : vector<16xi32>
    %shift_left3A_249 = arith.constant 10 : i32
    %shift_left3A_250 = vector.broadcast %shift_left3A_249 : i32 to vector<16xi32>
    %shift_left3A_251 = arith.shli %or3A_248, %shift_left3A_250 : vector<16xi32>
    %and3A_252 = arith.constant 7 : i32
    %and3A_253 = vector.broadcast %and3A_252 : i32 to vector<16xi32>
    %and3A_254 = arith.andi %add3A_238, %and3A_253 : vector<16xi32>
    %shift_left3A_255 = arith.constant 7 : i32
    %shift_left3A_256 = vector.broadcast %shift_left3A_255 : i32 to vector<16xi32>
    %shift_left3A_257 = arith.shli %and3A_254, %shift_left3A_256 : vector<16xi32>
    %or3A_258 = arith.ori %shift_left3A_251, %shift_left3A_257 : vector<16xi32>
    %and3A_259 = arith.constant 127 : i32
    %and3A_260 = vector.broadcast %and3A_259 : i32 to vector<16xi32>
    %and3A_261 = arith.andi %add3A_235, %and3A_260 : vector<16xi32>
    %or3A_262 = arith.ori %or3A_258, %and3A_261 : vector<16xi32>
    %swap3A_263 = arith.constant 16 : index
    %swap3A_264 = tpu.vector_load %arg6[%swap3A_263] {strides = array<i32>} : memref<512xi32, #tpu.memory_space<vmem>>, vector<16xi32>,
    %swap3A_265 = vector.shape_cast %swap3A_264 : vector<16xi32> to vector<16xi32>
    %swap3A_266 = vector.shape_cast %or3A_262 : vector<16xi32> to vector<16xi32>
    tpu.vector_store %arg6[%swap3A_263], %swap3A_266 {strides = array<i32>} : memref<512xi32, #tpu.memory_space<vmem>>, vector<16xi32>,
    %get3A_267 = arith.constant 32 : index
    %get3A_268 = tpu.vector_load %arg5[%get3A_267] {strides = array<i32>} : memref<512xi32, #tpu.memory_space<vmem>>, vector<16xi32>,
    %get3A_269 = vector.shape_cast %get3A_268 : vector<16xi32> to vector<16xi32>
    %add3A_270 = arith.constant 32 : i32
    %add3A_271 = arith.addi %mul3A_2, %add3A_270 : i32
    %iota3A_272 = tpu.iota {dimensions = array<i32: 0>} : vector<16xi32>
    %add3A_273 = vector.broadcast %add3A_271 : i32 to vector<16xi32>
    %add3A_274 = arith.addi %add3A_273, %iota3A_272 : vector<16xi32>
    %add3A_275 = arith.constant 256 : i32
    %add3A_276 = vector.broadcast %add3A_275 : i32 to vector<16xi32>
    %add3A_277 = arith.addi %get3A_269, %add3A_276 : vector<16xi32>
    %shift_right_arithmetic3A_278 = arith.constant 3 : i32
    %shift_right_arithmetic3A_279 = vector.broadcast %shift_right_arithmetic3A_278 : i32 to vector<16xi32>
    %shift_right_arithmetic3A_280 = arith.shrsi %add3A_277, %shift_right_arithmetic3A_279 : vector<16xi32>
    %shift_left3A_281 = arith.constant 7 : i32
    %shift_left3A_282 = vector.broadcast %shift_left3A_281 : i32 to vector<16xi32>
    %shift_left3A_283 = arith.shli %shift_right_arithmetic3A_280, %shift_left3A_282 : vector<16xi32>
    %shift_right_arithmetic3A_284 = arith.constant 7 : i32
    %shift_right_arithmetic3A_285 = vector.broadcast %shift_right_arithmetic3A_284 : i32 to vector<16xi32>
    %shift_right_arithmetic3A_286 = arith.shrsi %add3A_274, %shift_right_arithmetic3A_285 : vector<16xi32>
    %or3A_287 = arith.ori %shift_left3A_283, %shift_right_arithmetic3A_286 : vector<16xi32>
    %shift_left3A_288 = arith.constant 10 : i32
    %shift_left3A_289 = vector.broadcast %shift_left3A_288 : i32 to vector<16xi32>
    %shift_left3A_290 = arith.shli %or3A_287, %shift_left3A_289 : vector<16xi32>
    %and3A_291 = arith.constant 7 : i32
    %and3A_292 = vector.broadcast %and3A_291 : i32 to vector<16xi32>
    %and3A_293 = arith.andi %add3A_277, %and3A_292 : vector<16xi32>
    %shift_left3A_294 = arith.constant 7 : i32
    %shift_left3A_295 = vector.broadcast %shift_left3A_294 : i32 to vector<16xi32>
    %shift_left3A_296 = arith.shli %and3A_293, %shift_left3A_295 : vector<16xi32>
    %or3A_297 = arith.ori %shift_left3A_290, %shift_left3A_296 : vector<16xi32>
    %and3A_298 = arith.constant 127 : i32
    %and3A_299 = vector.broadcast %and3A_298 : i32 to vector<16xi32>
    %and3A_300 = arith.andi %add3A_274, %and3A_299 : vector<16xi32>
    %or3A_301 = arith.ori %or3A_297, %and3A_300 : vector<16xi32>
    %swap3A_302 = arith.constant 32 : index
    %swap3A_303 = tpu.vector_load %arg6[%swap3A_302] {strides = array<i32>} : memref<512xi32, #tpu.memory_space<vmem>>, vector<16xi32>,
    %swap3A_304 = vector.shape_cast %swap3A_303 : vector<16xi32> to vector<16xi32>
    %swap3A_305 = vector.shape_cast %or3A_301 : vector<16xi32> to vector<16xi32>
    tpu.vector_store %arg6[%swap3A_302], %swap3A_305 {strides = array<i32>} : memref<512xi32, #tpu.memory_space<vmem>>, vector<16xi32>,
    %get3A_306 = arith.constant 48 : index
    %get3A_307 = tpu.vector_load %arg5[%get3A_306] {strides = array<i32>} : memref<512xi32, #tpu.memory_space<vmem>>, vector<16xi32>,
    %get3A_308 = vector.shape_cast %get3A_307 : vector<16xi32> to vector<16xi32>
    %add3A_309 = arith.constant 48 : i32
    %add3A_310 = arith.addi %mul3A_2, %add3A_309 : i32
    %iota3A_311 = tpu.iota {dimensions = array<i32: 0>} : vector<16xi32>
    %add3A_312 = vector.broadcast %add3A_310 : i32 to vector<16xi32>
    %add3A_313 = arith.addi %add3A_312, %iota3A_311 : vector<16xi32>
    %add3A_314 = arith.constant 256 : i32
    %add3A_315 = vector.broadcast %add3A_314 : i32 to vector<16xi32>
    %add3A_316 = arith.addi %get3A_308, %add3A_315 : vector<16xi32>
    %shift_right_arithmetic3A_317 = arith.constant 3 : i32
    %shift_right_arithmetic3A_318 = vector.broadcast %shift_right_arithmetic3A_317 : i32 to vector<16xi32>
    %shift_right_arithmetic3A_319 = arith.shrsi %add3A_316, %shift_right_arithmetic3A_318 : vector<16xi32>
    %shift_left3A_320 = arith.constant 7 : i32
    %shift_left3A_321 = vector.broadcast %shift_left3A_320 : i32 to vector<16xi32>
    %shift_left3A_322 = arith.shli %shift_right_arithmetic3A_319, %shift_left3A_321 : vector<16xi32>
    %shift_right_arithmetic3A_323 = arith.constant 7 : i32
    %shift_right_arithmetic3A_324 = vector.broadcast %shift_right_arithmetic3A_323 : i32 to vector<16xi32>
    %shift_right_arithmetic3A_325 = arith.shrsi %add3A_313, %shift_right_arithmetic3A_324 : vector<16xi32>
    %or3A_326 = arith.ori %shift_left3A_322, %shift_right_arithmetic3A_325 : vector<16xi32>
    %shift_left3A_327 = arith.constant 10 : i32
    %shift_left3A_328 = vector.broadcast %shift_left3A_327 : i32 to vector<16xi32>
    %shift_left3A_329 = arith.shli %or3A_326, %shift_left3A_328 : vector<16xi32>
    %and3A_330 = arith.constant 7 : i32
    %and3A_331 = vector.broadcast %and3A_330 : i32 to vector<16xi32>
    %and3A_332 = arith.andi %add3A_316, %and3A_331 : vector<16xi32>
    %shift_left3A_333 = arith.constant 7 : i32
    %shift_left3A_334 = vector.broadcast %shift_left3A_333 : i32 to vector<16xi32>
    %shift_left3A_335 = arith.shli %and3A_332, %shift_left3A_334 : vector<16xi32>
    %or3A_336 = arith.ori %shift_left3A_329, %shift_left3A_335 : vector<16xi32>
    %and3A_337 = arith.constant 127 : i32
    %and3A_338 = vector.broadcast %and3A_337 : i32 to vector<16xi32>
    %and3A_339 = arith.andi %add3A_313, %and3A_338 : vector<16xi32>
    %or3A_340 = arith.ori %or3A_336, %and3A_339 : vector<16xi32>
    %swap3A_341 = arith.constant 48 : index
    %swap3A_342 = tpu.vector_load %arg6[%swap3A_341] {strides = array<i32>} : memref<512xi32, #tpu.memory_space<vmem>>, vector<16xi32>,
    %swap3A_343 = vector.shape_cast %swap3A_342 : vector<16xi32> to vector<16xi32>
    %swap3A_344 = vector.shape_cast %or3A_340 : vector<16xi32> to vector<16xi32>
    tpu.vector_store %arg6[%swap3A_341], %swap3A_344 {strides = array<i32>} : memref<512xi32, #tpu.memory_space<vmem>>, vector<16xi32>,
    %get3A_345 = arith.constant 64 : index
    %get3A_346 = tpu.vector_load %arg5[%get3A_345] {strides = array<i32>} : memref<512xi32, #tpu.memory_space<vmem>>, vector<16xi32>,
    %get3A_347 = vector.shape_cast %get3A_346 : vector<16xi32> to vector<16xi32>
    %add3A_348 = arith.constant 64 : i32
    %add3A_349 = arith.addi %mul3A_2, %add3A_348 : i32
    %iota3A_350 = tpu.iota {dimensions = array<i32: 0>} : vector<16xi32>
    %add3A_351 = vector.broadcast %add3A_349 : i32 to vector<16xi32>
    %add3A_352 = arith.addi %add3A_351, %iota3A_350 : vector<16xi32>
    %add3A_353 = arith.constant 256 : i32
    %add3A_354 = vector.broadcast %add3A_353 : i32 to vector<16xi32>
    %add3A_355 = arith.addi %get3A_347, %add3A_354 : vector<16xi32>
    %shift_right_arithmetic3A_356 = arith.constant 3 : i32
    %shift_right_arithmetic3A_357 = vector.broadcast %shift_right_arithmetic3A_356 : i32 to vector<16xi32>
    %shift_right_arithmetic3A_358 = arith.shrsi %add3A_355, %shift_right_arithmetic3A_357 : vector<16xi32>
    %shift_left3A_359 = arith.constant 7 : i32
    %shift_left3A_360 = vector.broadcast %shift_left3A_359 : i32 to vector<16xi32>
    %shift_left3A_361 = arith.shli %shift_right_arithmetic3A_358, %shift_left3A_360 : vector<16xi32>
    %shift_right_arithmetic3A_362 = arith.constant 7 : i32
    %shift_right_arithmetic3A_363 = vector.broadcast %shift_right_arithmetic3A_362 : i32 to vector<16xi32>
    %shift_right_arithmetic3A_364 = arith.shrsi %add3A_352, %shift_right_arithmetic3A_363 : vector<16xi32>
    %or3A_365 = arith.ori %shift_left3A_361, %shift_right_arithmetic3A_364 : vector<16xi32>
    %shift_left3A_366 = arith.constant 10 : i32
    %shift_left3A_367 = vector.broadcast %shift_left3A_366 : i32 to vector<16xi32>
    %shift_left3A_368 = arith.shli %or3A_365, %shift_left3A_367 : vector<16xi32>
    %and3A_369 = arith.constant 7 : i32
    %and3A_370 = vector.broadcast %and3A_369 : i32 to vector<16xi32>
    %and3A_371 = arith.andi %add3A_355, %and3A_370 : vector<16xi32>
    %shift_left3A_372 = arith.constant 7 : i32
    %shift_left3A_373 = vector.broadcast %shift_left3A_372 : i32 to vector<16xi32>
    %shift_left3A_374 = arith.shli %and3A_371, %shift_left3A_373 : vector<16xi32>
    %or3A_375 = arith.ori %shift_left3A_368, %shift_left3A_374 : vector<16xi32>
    %and3A_376 = arith.constant 127 : i32
    %and3A_377 = vector.broadcast %and3A_376 : i32 to vector<16xi32>
    %and3A_378 = arith.andi %add3A_352, %and3A_377 : vector<16xi32>
    %or3A_379 = arith.ori %or3A_375, %and3A_378 : vector<16xi32>
    %swap3A_380 = arith.constant 64 : index
    %swap3A_381 = tpu.vector_load %arg6[%swap3A_380] {strides = array<i32>} : memref<512xi32, #tpu.memory_space<vmem>>, vector<16xi32>,
    %swap3A_382 = vector.shape_cast %swap3A_381 : vector<16xi32> to vector<16xi32>
    %swap3A_383 = vector.shape_cast %or3A_379 : vector<16xi32> to vector<16xi32>
    tpu.vector_store %arg6[%swap3A_380], %swap3A_383 {strides = array<i32>} : memref<512xi32, #tpu.memory_space<vmem>>, vector<16xi32>,
    %get3A_384 = arith.constant 80 : index
    %get3A_385 = tpu.vector_load %arg5[%get3A_384] {strides = array<i32>} : memref<512xi32, #tpu.memory_space<vmem>>, vector<16xi32>,
    %get3A_386 = vector.shape_cast %get3A_385 : vector<16xi32> to vector<16xi32>
    %add3A_387 = arith.constant 80 : i32
    %add3A_388 = arith.addi %mul3A_2, %add3A_387 : i32
    %iota3A_389 = tpu.iota {dimensions = array<i32: 0>} : vector<16xi32>
    %add3A_390 = vector.broadcast %add3A_388 : i32 to vector<16xi32>
    %add3A_391 = arith.addi %add3A_390, %iota3A_389 : vector<16xi32>
    %add3A_392 = arith.constant 256 : i32
    %add3A_393 = vector.broadcast %add3A_392 : i32 to vector<16xi32>
    %add3A_394 = arith.addi %get3A_386, %add3A_393 : vector<16xi32>
    %shift_right_arithmetic3A_395 = arith.constant 3 : i32
    %shift_right_arithmetic3A_396 = vector.broadcast %shift_right_arithmetic3A_395 : i32 to vector<16xi32>
    %shift_right_arithmetic3A_397 = arith.shrsi %add3A_394, %shift_right_arithmetic3A_396 : vector<16xi32>
    %shift_left3A_398 = arith.constant 7 : i32
    %shift_left3A_399 = vector.broadcast %shift_left3A_398 : i32 to vector<16xi32>
    %shift_left3A_400 = arith.shli %shift_right_arithmetic3A_397, %shift_left3A_399 : vector<16xi32>
    %shift_right_arithmetic3A_401 = arith.constant 7 : i32
    %shift_right_arithmetic3A_402 = vector.broadcast %shift_right_arithmetic3A_401 : i32 to vector<16xi32>
    %shift_right_arithmetic3A_403 = arith.shrsi %add3A_391, %shift_right_arithmetic3A_402 : vector<16xi32>
    %or3A_404 = arith.ori %shift_left3A_400, %shift_right_arithmetic3A_403 : vector<16xi32>
    %shift_left3A_405 = arith.constant 10 : i32
    %shift_left3A_406 = vector.broadcast %shift_left3A_405 : i32 to vector<16xi32>
    %shift_left3A_407 = arith.shli %or3A_404, %shift_left3A_406 : vector<16xi32>
    %and3A_408 = arith.constant 7 : i32
    %and3A_409 = vector.broadcast %and3A_408 : i32 to vector<16xi32>
    %and3A_410 = arith.andi %add3A_394, %and3A_409 : vector<16xi32>
    %shift_left3A_411 = arith.constant 7 : i32
    %shift_left3A_412 = vector.broadcast %shift_left3A_411 : i32 to vector<16xi32>
    %shift_left3A_413 = arith.shli %and3A_410, %shift_left3A_412 : vector<16xi32>
    %or3A_414 = arith.ori %shift_left3A_407, %shift_left3A_413 : vector<16xi32>
    %and3A_415 = arith.constant 127 : i32
    %and3A_416 = vector.broadcast %and3A_415 : i32 to vector<16xi32>
    %and3A_417 = arith.andi %add3A_391, %and3A_416 : vector<16xi32>
    %or3A_418 = arith.ori %or3A_414, %and3A_417 : vector<16xi32>
    %swap3A_419 = arith.constant 80 : index
    %swap3A_420 = tpu.vector_load %arg6[%swap3A_419] {strides = array<i32>} : memref<512xi32, #tpu.memory_space<vmem>>, vector<16xi32>,
    %swap3A_421 = vector.shape_cast %swap3A_420 : vector<16xi32> to vector<16xi32>
    %swap3A_422 = vector.shape_cast %or3A_418 : vector<16xi32> to vector<16xi32>
    tpu.vector_store %arg6[%swap3A_419], %swap3A_422 {strides = array<i32>} : memref<512xi32, #tpu.memory_space<vmem>>, vector<16xi32>,
    %get3A_423 = arith.constant 96 : index
    %get3A_424 = tpu.vector_load %arg5[%get3A_423] {strides = array<i32>} : memref<512xi32, #tpu.memory_space<vmem>>, vector<16xi32>,
    %get3A_425 = vector.shape_cast %get3A_424 : vector<16xi32> to vector<16xi32>
    %add3A_426 = arith.constant 96 : i32
    %add3A_427 = arith.addi %mul3A_2, %add3A_426 : i32
    %iota3A_428 = tpu.iota {dimensions = array<i32: 0>} : vector<16xi32>
    %add3A_429 = vector.broadcast %add3A_427 : i32 to vector<16xi32>
    %add3A_430 = arith.addi %add3A_429, %iota3A_428 : vector<16xi32>
    %add3A_431 = arith.constant 256 : i32
    %add3A_432 = vector.broadcast %add3A_431 : i32 to vector<16xi32>
    %add3A_433 = arith.addi %get3A_425, %add3A_432 : vector<16xi32>
    %shift_right_arithmetic3A_434 = arith.constant 3 : i32
    %shift_right_arithmetic3A_435 = vector.broadcast %shift_right_arithmetic3A_434 : i32 to vector<16xi32>
    %shift_right_arithmetic3A_436 = arith.shrsi %add3A_433, %shift_right_arithmetic3A_435 : vector<16xi32>
    %shift_left3A_437 = arith.constant 7 : i32
    %shift_left3A_438 = vector.broadcast %shift_left3A_437 : i32 to vector<16xi32>
    %shift_left3A_439 = arith.shli %shift_right_arithmetic3A_436, %shift_left3A_438 : vector<16xi32>
    %shift_right_arithmetic3A_440 = arith.constant 7 : i32
    %shift_right_arithmetic3A_441 = vector.broadcast %shift_right_arithmetic3A_440 : i32 to vector<16xi32>
    %shift_right_arithmetic3A_442 = arith.shrsi %add3A_430, %shift_right_arithmetic3A_441 : vector<16xi32>
    %or3A_443 = arith.ori %shift_left3A_439, %shift_right_arithmetic3A_442 : vector<16xi32>
    %shift_left3A_444 = arith.constant 10 : i32
    %shift_left3A_445 = vector.broadcast %shift_left3A_444 : i32 to vector<16xi32>
    %shift_left3A_446 = arith.shli %or3A_443, %shift_left3A_445 : vector<16xi32>
    %and3A_447 = arith.constant 7 : i32
    %and3A_448 = vector.broadcast %and3A_447 : i32 to vector<16xi32>
    %and3A_449 = arith.andi %add3A_433, %and3A_448 : vector<16xi32>
    %shift_left3A_450 = arith.constant 7 : i32
    %shift_left3A_451 = vector.broadcast %shift_left3A_450 : i32 to vector<16xi32>
    %shift_left3A_452 = arith.shli %and3A_449, %shift_left3A_451 : vector<16xi32>
    %or3A_453 = arith.ori %shift_left3A_446, %shift_left3A_452 : vector<16xi32>
    %and3A_454 = arith.constant 127 : i32
    %and3A_455 = vector.broadcast %and3A_454 : i32 to vector<16xi32>
    %and3A_456 = arith.andi %add3A_430, %and3A_455 : vector<16xi32>
    %or3A_457 = arith.ori %or3A_453, %and3A_456 : vector<16xi32>
    %swap3A_458 = arith.constant 96 : index
    %swap3A_459 = tpu.vector_load %arg6[%swap3A_458] {strides = array<i32>} : memref<512xi32, #tpu.memory_space<vmem>>, vector<16xi32>,
    %swap3A_460 = vector.shape_cast %swap3A_459 : vector<16xi32> to vector<16xi32>
    %swap3A_461 = vector.shape_cast %or3A_457 : vector<16xi32> to vector<16xi32>
    tpu.vector_store %arg6[%swap3A_458], %swap3A_461 {strides = array<i32>} : memref<512xi32, #tpu.memory_space<vmem>>, vector<16xi32>,
    %get3A_462 = arith.constant 112 : index
    %get3A_463 = tpu.vector_load %arg5[%get3A_462] {strides = array<i32>} : memref<512xi32, #tpu.memory_space<vmem>>, vector<16xi32>,
    %get3A_464 = vector.shape_cast %get3A_463 : vector<16xi32> to vector<16xi32>
    %add3A_465 = arith.constant 112 : i32
    %add3A_466 = arith.addi %mul3A_2, %add3A_465 : i32
    %iota3A_467 = tpu.iota {dimensions = array<i32: 0>} : vector<16xi32>
    %add3A_468 = vector.broadcast %add3A_466 : i32 to vector<16xi32>
    %add3A_469 = arith.addi %add3A_468, %iota3A_467 : vector<16xi32>
    %add3A_470 = arith.constant 256 : i32
    %add3A_471 = vector.broadcast %add3A_470 : i32 to vector<16xi32>
    %add3A_472 = arith.addi %get3A_464, %add3A_471 : vector<16xi32>
    %shift_right_arithmetic3A_473 = arith.constant 3 : i32
    %shift_right_arithmetic3A_474 = vector.broadcast %shift_right_arithmetic3A_473 : i32 to vector<16xi32>
    %shift_right_arithmetic3A_475 = arith.shrsi %add3A_472, %shift_right_arithmetic3A_474 : vector<16xi32>
    %shift_left3A_476 = arith.constant 7 : i32
    %shift_left3A_477 = vector.broadcast %shift_left3A_476 : i32 to vector<16xi32>
    %shift_left3A_478 = arith.shli %shift_right_arithmetic3A_475, %shift_left3A_477 : vector<16xi32>
    %shift_right_arithmetic3A_479 = arith.constant 7 : i32
    %shift_right_arithmetic3A_480 = vector.broadcast %shift_right_arithmetic3A_479 : i32 to vector<16xi32>
    %shift_right_arithmetic3A_481 = arith.shrsi %add3A_469, %shift_right_arithmetic3A_480 : vector<16xi32>
    %or3A_482 = arith.ori %shift_left3A_478, %shift_right_arithmetic3A_481 : vector<16xi32>
    %shift_left3A_483 = arith.constant 10 : i32
    %shift_left3A_484 = vector.broadcast %shift_left3A_483 : i32 to vector<16xi32>
    %shift_left3A_485 = arith.shli %or3A_482, %shift_left3A_484 : vector<16xi32>
    %and3A_486 = arith.constant 7 : i32
    %and3A_487 = vector.broadcast %and3A_486 : i32 to vector<16xi32>
    %and3A_488 = arith.andi %add3A_472, %and3A_487 : vector<16xi32>
    %shift_left3A_489 = arith.constant 7 : i32
    %shift_left3A_490 = vector.broadcast %shift_left3A_489 : i32 to vector<16xi32>
    %shift_left3A_491 = arith.shli %and3A_488, %shift_left3A_490 : vector<16xi32>
    %or3A_492 = arith.ori %shift_left3A_485, %shift_left3A_491 : vector<16xi32>
    %and3A_493 = arith.constant 127 : i32
    %and3A_494 = vector.broadcast %and3A_493 : i32 to vector<16xi32>
    %and3A_495 = arith.andi %add3A_469, %and3A_494 : vector<16xi32>
    %or3A_496 = arith.ori %or3A_492, %and3A_495 : vector<16xi32>
    %swap3A_497 = arith.constant 112 : index
    %swap3A_498 = tpu.vector_load %arg6[%swap3A_497] {strides = array<i32>} : memref<512xi32, #tpu.memory_space<vmem>>, vector<16xi32>,
    %swap3A_499 = vector.shape_cast %swap3A_498 : vector<16xi32> to vector<16xi32>
    %swap3A_500 = vector.shape_cast %or3A_496 : vector<16xi32> to vector<16xi32>
    tpu.vector_store %arg6[%swap3A_497], %swap3A_500 {strides = array<i32>} : memref<512xi32, #tpu.memory_space<vmem>>, vector<16xi32>,
    %get3A_501 = arith.constant 128 : index
    %get3A_502 = tpu.vector_load %arg5[%get3A_501] {strides = array<i32>} : memref<512xi32, #tpu.memory_space<vmem>>, vector<16xi32>,
    %get3A_503 = vector.shape_cast %get3A_502 : vector<16xi32> to vector<16xi32>
    %add3A_504 = arith.constant 128 : i32
    %add3A_505 = arith.addi %mul3A_2, %add3A_504 : i32
    %iota3A_506 = tpu.iota {dimensions = array<i32: 0>} : vector<16xi32>
    %add3A_507 = vector.broadcast %add3A_505 : i32 to vector<16xi32>
    %add3A_508 = arith.addi %add3A_507, %iota3A_506 : vector<16xi32>
    %add3A_509 = arith.constant 256 : i32
    %add3A_510 = vector.broadcast %add3A_509 : i32 to vector<16xi32>
    %add3A_511 = arith.addi %get3A_503, %add3A_510 : vector<16xi32>
    %shift_right_arithmetic3A_512 = arith.constant 3 : i32
    %shift_right_arithmetic3A_513 = vector.broadcast %shift_right_arithmetic3A_512 : i32 to vector<16xi32>
    %shift_right_arithmetic3A_514 = arith.shrsi %add3A_511, %shift_right_arithmetic3A_513 : vector<16xi32>
    %shift_left3A_515 = arith.constant 7 : i32
    %shift_left3A_516 = vector.broadcast %shift_left3A_515 : i32 to vector<16xi32>
    %shift_left3A_517 = arith.shli %shift_right_arithmetic3A_514, %shift_left3A_516 : vector<16xi32>
    %shift_right_arithmetic3A_518 = arith.constant 7 : i32
    %shift_right_arithmetic3A_519 = vector.broadcast %shift_right_arithmetic3A_518 : i32 to vector<16xi32>
    %shift_right_arithmetic3A_520 = arith.shrsi %add3A_508, %shift_right_arithmetic3A_519 : vector<16xi32>
    %or3A_521 = arith.ori %shift_left3A_517, %shift_right_arithmetic3A_520 : vector<16xi32>
    %shift_left3A_522 = arith.constant 10 : i32
    %shift_left3A_523 = vector.broadcast %shift_left3A_522 : i32 to vector<16xi32>
    %shift_left3A_524 = arith.shli %or3A_521, %shift_left3A_523 : vector<16xi32>
    %and3A_525 = arith.constant 7 : i32
    %and3A_526 = vector.broadcast %and3A_525 : i32 to vector<16xi32>
    %and3A_527 = arith.andi %add3A_511, %and3A_526 : vector<16xi32>
    %shift_left3A_528 = arith.constant 7 : i32
    %shift_left3A_529 = vector.broadcast %shift_left3A_528 : i32 to vector<16xi32>
    %shift_left3A_530 = arith.shli %and3A_527, %shift_left3A_529 : vector<16xi32>
    %or3A_531 = arith.ori %shift_left3A_524, %shift_left3A_530 : vector<16xi32>
    %and3A_532 = arith.constant 127 : i32
    %and3A_533 = vector.broadcast %and3A_532 : i32 to vector<16xi32>
    %and3A_534 = arith.andi %add3A_508, %and3A_533 : vector<16xi32>
    %or3A_535 = arith.ori %or3A_531, %and3A_534 : vector<16xi32>
    %swap3A_536 = arith.constant 128 : index
    %swap3A_537 = tpu.vector_load %arg6[%swap3A_536] {strides = array<i32>} : memref<512xi32, #tpu.memory_space<vmem>>, vector<16xi32>,
    %swap3A_538 = vector.shape_cast %swap3A_537 : vector<16xi32> to vector<16xi32>
    %swap3A_539 = vector.shape_cast %or3A_535 : vector<16xi32> to vector<16xi32>
    tpu.vector_store %arg6[%swap3A_536], %swap3A_539 {strides = array<i32>} : memref<512xi32, #tpu.memory_space<vmem>>, vector<16xi32>,
    %get3A_540 = arith.constant 144 : index
    %get3A_541 = tpu.vector_load %arg5[%get3A_540] {strides = array<i32>} : memref<512xi32, #tpu.memory_space<vmem>>, vector<16xi32>,
    %get3A_542 = vector.shape_cast %get3A_541 : vector<16xi32> to vector<16xi32>
    %add3A_543 = arith.constant 144 : i32
    %add3A_544 = arith.addi %mul3A_2, %add3A_543 : i32
    %iota3A_545 = tpu.iota {dimensions = array<i32: 0>} : vector<16xi32>
    %add3A_546 = vector.broadcast %add3A_544 : i32 to vector<16xi32>
    %add3A_547 = arith.addi %add3A_546, %iota3A_545 : vector<16xi32>
    %add3A_548 = arith.constant 256 : i32
    %add3A_549 = vector.broadcast %add3A_548 : i32 to vector<16xi32>
    %add3A_550 = arith.addi %get3A_542, %add3A_549 : vector<16xi32>
    %shift_right_arithmetic3A_551 = arith.constant 3 : i32
    %shift_right_arithmetic3A_552 = vector.broadcast %shift_right_arithmetic3A_551 : i32 to vector<16xi32>
    %shift_right_arithmetic3A_553 = arith.shrsi %add3A_550, %shift_right_arithmetic3A_552 : vector<16xi32>
    %shift_left3A_554 = arith.constant 7 : i32
    %shift_left3A_555 = vector.broadcast %shift_left3A_554 : i32 to vector<16xi32>
    %shift_left3A_556 = arith.shli %shift_right_arithmetic3A_553, %shift_left3A_555 : vector<16xi32>
    %shift_right_arithmetic3A_557 = arith.constant 7 : i32
    %shift_right_arithmetic3A_558 = vector.broadcast %shift_right_arithmetic3A_557 : i32 to vector<16xi32>
    %shift_right_arithmetic3A_559 = arith.shrsi %add3A_547, %shift_right_arithmetic3A_558 : vector<16xi32>
    %or3A_560 = arith.ori %shift_left3A_556, %shift_right_arithmetic3A_559 : vector<16xi32>
    %shift_left3A_561 = arith.constant 10 : i32
    %shift_left3A_562 = vector.broadcast %shift_left3A_561 : i32 to vector<16xi32>
    %shift_left3A_563 = arith.shli %or3A_560, %shift_left3A_562 : vector<16xi32>
    %and3A_564 = arith.constant 7 : i32
    %and3A_565 = vector.broadcast %and3A_564 : i32 to vector<16xi32>
    %and3A_566 = arith.andi %add3A_550, %and3A_565 : vector<16xi32>
    %shift_left3A_567 = arith.constant 7 : i32
    %shift_left3A_568 = vector.broadcast %shift_left3A_567 : i32 to vector<16xi32>
    %shift_left3A_569 = arith.shli %and3A_566, %shift_left3A_568 : vector<16xi32>
    %or3A_570 = arith.ori %shift_left3A_563, %shift_left3A_569 : vector<16xi32>
    %and3A_571 = arith.constant 127 : i32
    %and3A_572 = vector.broadcast %and3A_571 : i32 to vector<16xi32>
    %and3A_573 = arith.andi %add3A_547, %and3A_572 : vector<16xi32>
    %or3A_574 = arith.ori %or3A_570, %and3A_573 : vector<16xi32>
    %swap3A_575 = arith.constant 144 : index
    %swap3A_576 = tpu.vector_load %arg6[%swap3A_575] {strides = array<i32>} : memref<512xi32, #tpu.memory_space<vmem>>, vector<16xi32>,
    %swap3A_577 = vector.shape_cast %swap3A_576 : vector<16xi32> to vector<16xi32>
    %swap3A_578 = vector.shape_cast %or3A_574 : vector<16xi32> to vector<16xi32>
    tpu.vector_store %arg6[%swap3A_575], %swap3A_578 {strides = array<i32>} : memref<512xi32, #tpu.memory_space<vmem>>, vector<16xi32>,
    %get3A_579 = arith.constant 160 : index
    %get3A_580 = tpu.vector_load %arg5[%get3A_579] {strides = array<i32>} : memref<512xi32, #tpu.memory_space<vmem>>, vector<16xi32>,
    %get3A_581 = vector.shape_cast %get3A_580 : vector<16xi32> to vector<16xi32>
    %add3A_582 = arith.constant 160 : i32
    %add3A_583 = arith.addi %mul3A_2, %add3A_582 : i32
    %iota3A_584 = tpu.iota {dimensions = array<i32: 0>} : vector<16xi32>
    %add3A_585 = vector.broadcast %add3A_583 : i32 to vector<16xi32>
    %add3A_586 = arith.addi %add3A_585, %iota3A_584 : vector<16xi32>
    %add3A_587 = arith.constant 256 : i32
    %add3A_588 = vector.broadcast %add3A_587 : i32 to vector<16xi32>
    %add3A_589 = arith.addi %get3A_581, %add3A_588 : vector<16xi32>
    %shift_right_arithmetic3A_590 = arith.constant 3 : i32
    %shift_right_arithmetic3A_591 = vector.broadcast %shift_right_arithmetic3A_590 : i32 to vector<16xi32>
    %shift_right_arithmetic3A_592 = arith.shrsi %add3A_589, %shift_right_arithmetic3A_591 : vector<16xi32>
    %shift_left3A_593 = arith.constant 7 : i32
    %shift_left3A_594 = vector.broadcast %shift_left3A_593 : i32 to vector<16xi32>
    %shift_left3A_595 = arith.shli %shift_right_arithmetic3A_592, %shift_left3A_594 : vector<16xi32>
    %shift_right_arithmetic3A_596 = arith.constant 7 : i32
    %shift_right_arithmetic3A_597 = vector.broadcast %shift_right_arithmetic3A_596 : i32 to vector<16xi32>
    %shift_right_arithmetic3A_598 = arith.shrsi %add3A_586, %shift_right_arithmetic3A_597 : vector<16xi32>
    %or3A_599 = arith.ori %shift_left3A_595, %shift_right_arithmetic3A_598 : vector<16xi32>
    %shift_left3A_600 = arith.constant 10 : i32
    %shift_left3A_601 = vector.broadcast %shift_left3A_600 : i32 to vector<16xi32>
    %shift_left3A_602 = arith.shli %or3A_599, %shift_left3A_601 : vector<16xi32>
    %and3A_603 = arith.constant 7 : i32
    %and3A_604 = vector.broadcast %and3A_603 : i32 to vector<16xi32>
    %and3A_605 = arith.andi %add3A_589, %and3A_604 : vector<16xi32>
    %shift_left3A_606 = arith.constant 7 : i32
    %shift_left3A_607 = vector.broadcast %shift_left3A_606 : i32 to vector<16xi32>
    %shift_left3A_608 = arith.shli %and3A_605, %shift_left3A_607 : vector<16xi32>
    %or3A_609 = arith.ori %shift_left3A_602, %shift_left3A_608 : vector<16xi32>
    %and3A_610 = arith.constant 127 : i32
    %and3A_611 = vector.broadcast %and3A_610 : i32 to vector<16xi32>
    %and3A_612 = arith.andi %add3A_586, %and3A_611 : vector<16xi32>
    %or3A_613 = arith.ori %or3A_609, %and3A_612 : vector<16xi32>
    %swap3A_614 = arith.constant 160 : index
    %swap3A_615 = tpu.vector_load %arg6[%swap3A_614] {strides = array<i32>} : memref<512xi32, #tpu.memory_space<vmem>>, vector<16xi32>,
    %swap3A_616 = vector.shape_cast %swap3A_615 : vector<16xi32> to vector<16xi32>
    %swap3A_617 = vector.shape_cast %or3A_613 : vector<16xi32> to vector<16xi32>
    tpu.vector_store %arg6[%swap3A_614], %swap3A_617 {strides = array<i32>} : memref<512xi32, #tpu.memory_space<vmem>>, vector<16xi32>,
    %get3A_618 = arith.constant 176 : index
    %get3A_619 = tpu.vector_load %arg5[%get3A_618] {strides = array<i32>} : memref<512xi32, #tpu.memory_space<vmem>>, vector<16xi32>,
    %get3A_620 = vector.shape_cast %get3A_619 : vector<16xi32> to vector<16xi32>
    %add3A_621 = arith.constant 176 : i32
    %add3A_622 = arith.addi %mul3A_2, %add3A_621 : i32
    %iota3A_623 = tpu.iota {dimensions = array<i32: 0>} : vector<16xi32>
    %add3A_624 = vector.broadcast %add3A_622 : i32 to vector<16xi32>
    %add3A_625 = arith.addi %add3A_624, %iota3A_623 : vector<16xi32>
    %add3A_626 = arith.constant 256 : i32
    %add3A_627 = vector.broadcast %add3A_626 : i32 to vector<16xi32>
    %add3A_628 = arith.addi %get3A_620, %add3A_627 : vector<16xi32>
    %shift_right_arithmetic3A_629 = arith.constant 3 : i32
    %shift_right_arithmetic3A_630 = vector.broadcast %shift_right_arithmetic3A_629 : i32 to vector<16xi32>
    %shift_right_arithmetic3A_631 = arith.shrsi %add3A_628, %shift_right_arithmetic3A_630 : vector<16xi32>
    %shift_left3A_632 = arith.constant 7 : i32
    %shift_left3A_633 = vector.broadcast %shift_left3A_632 : i32 to vector<16xi32>
    %shift_left3A_634 = arith.shli %shift_right_arithmetic3A_631, %shift_left3A_633 : vector<16xi32>
    %shift_right_arithmetic3A_635 = arith.constant 7 : i32
    %shift_right_arithmetic3A_636 = vector.broadcast %shift_right_arithmetic3A_635 : i32 to vector<16xi32>
    %shift_right_arithmetic3A_637 = arith.shrsi %add3A_625, %shift_right_arithmetic3A_636 : vector<16xi32>
    %or3A_638 = arith.ori %shift_left3A_634, %shift_right_arithmetic3A_637 : vector<16xi32>
    %shift_left3A_639 = arith.constant 10 : i32
    %shift_left3A_640 = vector.broadcast %shift_left3A_639 : i32 to vector<16xi32>
    %shift_left3A_641 = arith.shli %or3A_638, %shift_left3A_640 : vector<16xi32>
    %and3A_642 = arith.constant 7 : i32
    %and3A_643 = vector.broadcast %and3A_642 : i32 to vector<16xi32>
    %and3A_644 = arith.andi %add3A_628, %and3A_643 : vector<16xi32>
    %shift_left3A_645 = arith.constant 7 : i32
    %shift_left3A_646 = vector.broadcast %shift_left3A_645 : i32 to vector<16xi32>
    %shift_left3A_647 = arith.shli %and3A_644, %shift_left3A_646 : vector<16xi32>
    %or3A_648 = arith.ori %shift_left3A_641, %shift_left3A_647 : vector<16xi32>
    %and3A_649 = arith.constant 127 : i32
    %and3A_650 = vector.broadcast %and3A_649 : i32 to vector<16xi32>
    %and3A_651 = arith.andi %add3A_625, %and3A_650 : vector<16xi32>
    %or3A_652 = arith.ori %or3A_648, %and3A_651 : vector<16xi32>
    %swap3A_653 = arith.constant 176 : index
    %swap3A_654 = tpu.vector_load %arg6[%swap3A_653] {strides = array<i32>} : memref<512xi32, #tpu.memory_space<vmem>>, vector<16xi32>,
    %swap3A_655 = vector.shape_cast %swap3A_654 : vector<16xi32> to vector<16xi32>
    %swap3A_656 = vector.shape_cast %or3A_652 : vector<16xi32> to vector<16xi32>
    tpu.vector_store %arg6[%swap3A_653], %swap3A_656 {strides = array<i32>} : memref<512xi32, #tpu.memory_space<vmem>>, vector<16xi32>,
    %get3A_657 = arith.constant 192 : index
    %get3A_658 = tpu.vector_load %arg5[%get3A_657] {strides = array<i32>} : memref<512xi32, #tpu.memory_space<vmem>>, vector<16xi32>,
    %get3A_659 = vector.shape_cast %get3A_658 : vector<16xi32> to vector<16xi32>
    %add3A_660 = arith.constant 192 : i32
    %add3A_661 = arith.addi %mul3A_2, %add3A_660 : i32
    %iota3A_662 = tpu.iota {dimensions = array<i32: 0>} : vector<16xi32>
    %add3A_663 = vector.broadcast %add3A_661 : i32 to vector<16xi32>
    %add3A_664 = arith.addi %add3A_663, %iota3A_662 : vector<16xi32>
    %add3A_665 = arith.constant 256 : i32
    %add3A_666 = vector.broadcast %add3A_665 : i32 to vector<16xi32>
    %add3A_667 = arith.addi %get3A_659, %add3A_666 : vector<16xi32>
    %shift_right_arithmetic3A_668 = arith.constant 3 : i32
    %shift_right_arithmetic3A_669 = vector.broadcast %shift_right_arithmetic3A_668 : i32 to vector<16xi32>
    %shift_right_arithmetic3A_670 = arith.shrsi %add3A_667, %shift_right_arithmetic3A_669 : vector<16xi32>
    %shift_left3A_671 = arith.constant 7 : i32
    %shift_left3A_672 = vector.broadcast %shift_left3A_671 : i32 to vector<16xi32>
    %shift_left3A_673 = arith.shli %shift_right_arithmetic3A_670, %shift_left3A_672 : vector<16xi32>
    %shift_right_arithmetic3A_674 = arith.constant 7 : i32
    %shift_right_arithmetic3A_675 = vector.broadcast %shift_right_arithmetic3A_674 : i32 to vector<16xi32>
    %shift_right_arithmetic3A_676 = arith.shrsi %add3A_664, %shift_right_arithmetic3A_675 : vector<16xi32>
    %or3A_677 = arith.ori %shift_left3A_673, %shift_right_arithmetic3A_676 : vector<16xi32>
    %shift_left3A_678 = arith.constant 10 : i32
    %shift_left3A_679 = vector.broadcast %shift_left3A_678 : i32 to vector<16xi32>
    %shift_left3A_680 = arith.shli %or3A_677, %shift_left3A_679 : vector<16xi32>
    %and3A_681 = arith.constant 7 : i32
    %and3A_682 = vector.broadcast %and3A_681 : i32 to vector<16xi32>
    %and3A_683 = arith.andi %add3A_667, %and3A_682 : vector<16xi32>
    %shift_left3A_684 = arith.constant 7 : i32
    %shift_left3A_685 = vector.broadcast %shift_left3A_684 : i32 to vector<16xi32>
    %shift_left3A_686 = arith.shli %and3A_683, %shift_left3A_685 : vector<16xi32>
    %or3A_687 = arith.ori %shift_left3A_680, %shift_left3A_686 : vector<16xi32>
    %and3A_688 = arith.constant 127 : i32
    %and3A_689 = vector.broadcast %and3A_688 : i32 to vector<16xi32>
    %and3A_690 = arith.andi %add3A_664, %and3A_689 : vector<16xi32>
    %or3A_691 = arith.ori %or3A_687, %and3A_690 : vector<16xi32>
    %swap3A_692 = arith.constant 192 : index
    %swap3A_693 = tpu.vector_load %arg6[%swap3A_692] {strides = array<i32>} : memref<512xi32, #tpu.memory_space<vmem>>, vector<16xi32>,
    %swap3A_694 = vector.shape_cast %swap3A_693 : vector<16xi32> to vector<16xi32>
    %swap3A_695 = vector.shape_cast %or3A_691 : vector<16xi32> to vector<16xi32>
    tpu.vector_store %arg6[%swap3A_692], %swap3A_695 {strides = array<i32>} : memref<512xi32, #tpu.memory_space<vmem>>, vector<16xi32>,
    %get3A_696 = arith.constant 208 : index
    %get3A_697 = tpu.vector_load %arg5[%get3A_696] {strides = array<i32>} : memref<512xi32, #tpu.memory_space<vmem>>, vector<16xi32>,
    %get3A_698 = vector.shape_cast %get3A_697 : vector<16xi32> to vector<16xi32>
    %add3A_699 = arith.constant 208 : i32
    %add3A_700 = arith.addi %mul3A_2, %add3A_699 : i32
    %iota3A_701 = tpu.iota {dimensions = array<i32: 0>} : vector<16xi32>
    %add3A_702 = vector.broadcast %add3A_700 : i32 to vector<16xi32>
    %add3A_703 = arith.addi %add3A_702, %iota3A_701 : vector<16xi32>
    %add3A_704 = arith.constant 256 : i32
    %add3A_705 = vector.broadcast %add3A_704 : i32 to vector<16xi32>
    %add3A_706 = arith.addi %get3A_698, %add3A_705 : vector<16xi32>
    %shift_right_arithmetic3A_707 = arith.constant 3 : i32
    %shift_right_arithmetic3A_708 = vector.broadcast %shift_right_arithmetic3A_707 : i32 to vector<16xi32>
    %shift_right_arithmetic3A_709 = arith.shrsi %add3A_706, %shift_right_arithmetic3A_708 : vector<16xi32>
    %shift_left3A_710 = arith.constant 7 : i32
    %shift_left3A_711 = vector.broadcast %shift_left3A_710 : i32 to vector<16xi32>
    %shift_left3A_712 = arith.shli %shift_right_arithmetic3A_709, %shift_left3A_711 : vector<16xi32>
    %shift_right_arithmetic3A_713 = arith.constant 7 : i32
    %shift_right_arithmetic3A_714 = vector.broadcast %shift_right_arithmetic3A_713 : i32 to vector<16xi32>
    %shift_right_arithmetic3A_715 = arith.shrsi %add3A_703, %shift_right_arithmetic3A_714 : vector<16xi32>
    %or3A_716 = arith.ori %shift_left3A_712, %shift_right_arithmetic3A_715 : vector<16xi32>
    %shift_left3A_717 = arith.constant 10 : i32
    %shift_left3A_718 = vector.broadcast %shift_left3A_717 : i32 to vector<16xi32>
    %shift_left3A_719 = arith.shli %or3A_716, %shift_left3A_718 : vector<16xi32>
    %and3A_720 = arith.constant 7 : i32
    %and3A_721 = vector.broadcast %and3A_720 : i32 to vector<16xi32>
    %and3A_722 = arith.andi %add3A_706, %and3A_721 : vector<16xi32>
    %shift_left3A_723 = arith.constant 7 : i32
    %shift_left3A_724 = vector.broadcast %shift_left3A_723 : i32 to vector<16xi32>
    %shift_left3A_725 = arith.shli %and3A_722, %shift_left3A_724 : vector<16xi32>
    %or3A_726 = arith.ori %shift_left3A_719, %shift_left3A_725 : vector<16xi32>
    %and3A_727 = arith.constant 127 : i32
    %and3A_728 = vector.broadcast %and3A_727 : i32 to vector<16xi32>
    %and3A_729 = arith.andi %add3A_703, %and3A_728 : vector<16xi32>
    %or3A_730 = arith.ori %or3A_726, %and3A_729 : vector<16xi32>
    %swap3A_731 = arith.constant 208 : index
    %swap3A_732 = tpu.vector_load %arg6[%swap3A_731] {strides = array<i32>} : memref<512xi32, #tpu.memory_space<vmem>>, vector<16xi32>,
    %swap3A_733 = vector.shape_cast %swap3A_732 : vector<16xi32> to vector<16xi32>
    %swap3A_734 = vector.shape_cast %or3A_730 : vector<16xi32> to vector<16xi32>
    tpu.vector_store %arg6[%swap3A_731], %swap3A_734 {strides = array<i32>} : memref<512xi32, #tpu.memory_space<vmem>>, vector<16xi32>,
    %get3A_735 = arith.constant 224 : index
    %get3A_736 = tpu.vector_load %arg5[%get3A_735] {strides = array<i32>} : memref<512xi32, #tpu.memory_space<vmem>>, vector<16xi32>,
    %get3A_737 = vector.shape_cast %get3A_736 : vector<16xi32> to vector<16xi32>
    %add3A_738 = arith.constant 224 : i32
    %add3A_739 = arith.addi %mul3A_2, %add3A_738 : i32
    %iota3A_740 = tpu.iota {dimensions = array<i32: 0>} : vector<16xi32>
    %add3A_741 = vector.broadcast %add3A_739 : i32 to vector<16xi32>
    %add3A_742 = arith.addi %add3A_741, %iota3A_740 : vector<16xi32>
    %add3A_743 = arith.constant 256 : i32
    %add3A_744 = vector.broadcast %add3A_743 : i32 to vector<16xi32>
    %add3A_745 = arith.addi %get3A_737, %add3A_744 : vector<16xi32>
    %shift_right_arithmetic3A_746 = arith.constant 3 : i32
    %shift_right_arithmetic3A_747 = vector.broadcast %shift_right_arithmetic3A_746 : i32 to vector<16xi32>
    %shift_right_arithmetic3A_748 = arith.shrsi %add3A_745, %shift_right_arithmetic3A_747 : vector<16xi32>
    %shift_left3A_749 = arith.constant 7 : i32
    %shift_left3A_750 = vector.broadcast %shift_left3A_749 : i32 to vector<16xi32>
    %shift_left3A_751 = arith.shli %shift_right_arithmetic3A_748, %shift_left3A_750 : vector<16xi32>
    %shift_right_arithmetic3A_752 = arith.constant 7 : i32
    %shift_right_arithmetic3A_753 = vector.broadcast %shift_right_arithmetic3A_752 : i32 to vector<16xi32>
    %shift_right_arithmetic3A_754 = arith.shrsi %add3A_742, %shift_right_arithmetic3A_753 : vector<16xi32>
    %or3A_755 = arith.ori %shift_left3A_751, %shift_right_arithmetic3A_754 : vector<16xi32>
    %shift_left3A_756 = arith.constant 10 : i32
    %shift_left3A_757 = vector.broadcast %shift_left3A_756 : i32 to vector<16xi32>
    %shift_left3A_758 = arith.shli %or3A_755, %shift_left3A_757 : vector<16xi32>
    %and3A_759 = arith.constant 7 : i32
    %and3A_760 = vector.broadcast %and3A_759 : i32 to vector<16xi32>
    %and3A_761 = arith.andi %add3A_745, %and3A_760 : vector<16xi32>
    %shift_left3A_762 = arith.constant 7 : i32
    %shift_left3A_763 = vector.broadcast %shift_left3A_762 : i32 to vector<16xi32>
    %shift_left3A_764 = arith.shli %and3A_761, %shift_left3A_763 : vector<16xi32>
    %or3A_765 = arith.ori %shift_left3A_758, %shift_left3A_764 : vector<16xi32>
    %and3A_766 = arith.constant 127 : i32
    %and3A_767 = vector.broadcast %and3A_766 : i32 to vector<16xi32>
    %and3A_768 = arith.andi %add3A_742, %and3A_767 : vector<16xi32>
    %or3A_769 = arith.ori %or3A_765, %and3A_768 : vector<16xi32>
    %swap3A_770 = arith.constant 224 : index
    %swap3A_771 = tpu.vector_load %arg6[%swap3A_770] {strides = array<i32>} : memref<512xi32, #tpu.memory_space<vmem>>, vector<16xi32>,
    %swap3A_772 = vector.shape_cast %swap3A_771 : vector<16xi32> to vector<16xi32>
    %swap3A_773 = vector.shape_cast %or3A_769 : vector<16xi32> to vector<16xi32>
    tpu.vector_store %arg6[%swap3A_770], %swap3A_773 {strides = array<i32>} : memref<512xi32, #tpu.memory_space<vmem>>, vector<16xi32>,
    %get3A_774 = arith.constant 240 : index
    %get3A_775 = tpu.vector_load %arg5[%get3A_774] {strides = array<i32>} : memref<512xi32, #tpu.memory_space<vmem>>, vector<16xi32>,
    %get3A_776 = vector.shape_cast %get3A_775 : vector<16xi32> to vector<16xi32>
    %add3A_777 = arith.constant 240 : i32
    %add3A_778 = arith.addi %mul3A_2, %add3A_777 : i32
    %iota3A_779 = tpu.iota {dimensions = array<i32: 0>} : vector<16xi32>
    %add3A_780 = vector.broadcast %add3A_778 : i32 to vector<16xi32>
    %add3A_781 = arith.addi %add3A_780, %iota3A_779 : vector<16xi32>
    %add3A_782 = arith.constant 256 : i32
    %add3A_783 = vector.broadcast %add3A_782 : i32 to vector<16xi32>
    %add3A_784 = arith.addi %get3A_776, %add3A_783 : vector<16xi32>
    %shift_right_arithmetic3A_785 = arith.constant 3 : i32
    %shift_right_arithmetic3A_786 = vector.broadcast %shift_right_arithmetic3A_785 : i32 to vector<16xi32>
    %shift_right_arithmetic3A_787 = arith.shrsi %add3A_784, %shift_right_arithmetic3A_786 : vector<16xi32>
    %shift_left3A_788 = arith.constant 7 : i32
    %shift_left3A_789 = vector.broadcast %shift_left3A_788 : i32 to vector<16xi32>
    %shift_left3A_790 = arith.shli %shift_right_arithmetic3A_787, %shift_left3A_789 : vector<16xi32>
    %shift_right_arithmetic3A_791 = arith.constant 7 : i32
    %shift_right_arithmetic3A_792 = vector.broadcast %shift_right_arithmetic3A_791 : i32 to vector<16xi32>
    %shift_right_arithmetic3A_793 = arith.shrsi %add3A_781, %shift_right_arithmetic3A_792 : vector<16xi32>
    %or3A_794 = arith.ori %shift_left3A_790, %shift_right_arithmetic3A_793 : vector<16xi32>
    %shift_left3A_795 = arith.constant 10 : i32
    %shift_left3A_796 = vector.broadcast %shift_left3A_795 : i32 to vector<16xi32>
    %shift_left3A_797 = arith.shli %or3A_794, %shift_left3A_796 : vector<16xi32>
    %and3A_798 = arith.constant 7 : i32
    %and3A_799 = vector.broadcast %and3A_798 : i32 to vector<16xi32>
    %and3A_800 = arith.andi %add3A_784, %and3A_799 : vector<16xi32>
    %shift_left3A_801 = arith.constant 7 : i32
    %shift_left3A_802 = vector.broadcast %shift_left3A_801 : i32 to vector<16xi32>
    %shift_left3A_803 = arith.shli %and3A_800, %shift_left3A_802 : vector<16xi32>
    %or3A_804 = arith.ori %shift_left3A_797, %shift_left3A_803 : vector<16xi32>
    %and3A_805 = arith.constant 127 : i32
    %and3A_806 = vector.broadcast %and3A_805 : i32 to vector<16xi32>
    %and3A_807 = arith.andi %add3A_781, %and3A_806 : vector<16xi32>
    %or3A_808 = arith.ori %or3A_804, %and3A_807 : vector<16xi32>
    %swap3A_809 = arith.constant 240 : index
    %swap3A_810 = tpu.vector_load %arg6[%swap3A_809] {strides = array<i32>} : memref<512xi32, #tpu.memory_space<vmem>>, vector<16xi32>,
    %swap3A_811 = vector.shape_cast %swap3A_810 : vector<16xi32> to vector<16xi32>
    %swap3A_812 = vector.shape_cast %or3A_808 : vector<16xi32> to vector<16xi32>
    tpu.vector_store %arg6[%swap3A_809], %swap3A_812 {strides = array<i32>} : memref<512xi32, #tpu.memory_space<vmem>>, vector<16xi32>,
    %get3A_813 = arith.constant 256 : index
    %get3A_814 = tpu.vector_load %arg5[%get3A_813] {strides = array<i32>} : memref<512xi32, #tpu.memory_space<vmem>>, vector<16xi32>,
    %get3A_815 = vector.shape_cast %get3A_814 : vector<16xi32> to vector<16xi32>
    %add3A_816 = arith.constant 256 : i32
    %add3A_817 = arith.addi %mul3A_2, %add3A_816 : i32
    %iota3A_818 = tpu.iota {dimensions = array<i32: 0>} : vector<16xi32>
    %add3A_819 = vector.broadcast %add3A_817 : i32 to vector<16xi32>
    %add3A_820 = arith.addi %add3A_819, %iota3A_818 : vector<16xi32>
    %add3A_821 = arith.constant 256 : i32
    %add3A_822 = vector.broadcast %add3A_821 : i32 to vector<16xi32>
    %add3A_823 = arith.addi %get3A_815, %add3A_822 : vector<16xi32>
    %shift_right_arithmetic3A_824 = arith.constant 3 : i32
    %shift_right_arithmetic3A_825 = vector.broadcast %shift_right_arithmetic3A_824 : i32 to vector<16xi32>
    %shift_right_arithmetic3A_826 = arith.shrsi %add3A_823, %shift_right_arithmetic3A_825 : vector<16xi32>
    %shift_left3A_827 = arith.constant 7 : i32
    %shift_left3A_828 = vector.broadcast %shift_left3A_827 : i32 to vector<16xi32>
    %shift_left3A_829 = arith.shli %shift_right_arithmetic3A_826, %shift_left3A_828 : vector<16xi32>
    %shift_right_arithmetic3A_830 = arith.constant 7 : i32
    %shift_right_arithmetic3A_831 = vector.broadcast %shift_right_arithmetic3A_830 : i32 to vector<16xi32>
    %shift_right_arithmetic3A_832 = arith.shrsi %add3A_820, %shift_right_arithmetic3A_831 : vector<16xi32>
    %or3A_833 = arith.ori %shift_left3A_829, %shift_right_arithmetic3A_832 : vector<16xi32>
    %shift_left3A_834 = arith.constant 10 : i32
    %shift_left3A_835 = vector.broadcast %shift_left3A_834 : i32 to vector<16xi32>
    %shift_left3A_836 = arith.shli %or3A_833, %shift_left3A_835 : vector<16xi32>
    %and3A_837 = arith.constant 7 : i32
    %and3A_838 = vector.broadcast %and3A_837 : i32 to vector<16xi32>
    %and3A_839 = arith.andi %add3A_823, %and3A_838 : vector<16xi32>
    %shift_left3A_840 = arith.constant 7 : i32
    %shift_left3A_841 = vector.broadcast %shift_left3A_840 : i32 to vector<16xi32>
    %shift_left3A_842 = arith.shli %and3A_839, %shift_left3A_841 : vector<16xi32>
    %or3A_843 = arith.ori %shift_left3A_836, %shift_left3A_842 : vector<16xi32>
    %and3A_844 = arith.constant 127 : i32
    %and3A_845 = vector.broadcast %and3A_844 : i32 to vector<16xi32>
    %and3A_846 = arith.andi %add3A_820, %and3A_845 : vector<16xi32>
    %or3A_847 = arith.ori %or3A_843, %and3A_846 : vector<16xi32>
    %swap3A_848 = arith.constant 256 : index
    %swap3A_849 = tpu.vector_load %arg6[%swap3A_848] {strides = array<i32>} : memref<512xi32, #tpu.memory_space<vmem>>, vector<16xi32>,
    %swap3A_850 = vector.shape_cast %swap3A_849 : vector<16xi32> to vector<16xi32>
    %swap3A_851 = vector.shape_cast %or3A_847 : vector<16xi32> to vector<16xi32>
    tpu.vector_store %arg6[%swap3A_848], %swap3A_851 {strides = array<i32>} : memref<512xi32, #tpu.memory_space<vmem>>, vector<16xi32>,
    %get3A_852 = arith.constant 272 : index
    %get3A_853 = tpu.vector_load %arg5[%get3A_852] {strides = array<i32>} : memref<512xi32, #tpu.memory_space<vmem>>, vector<16xi32>,
    %get3A_854 = vector.shape_cast %get3A_853 : vector<16xi32> to vector<16xi32>
    %add3A_855 = arith.constant 272 : i32
    %add3A_856 = arith.addi %mul3A_2, %add3A_855 : i32
    %iota3A_857 = tpu.iota {dimensions = array<i32: 0>} : vector<16xi32>
    %add3A_858 = vector.broadcast %add3A_856 : i32 to vector<16xi32>
    %add3A_859 = arith.addi %add3A_858, %iota3A_857 : vector<16xi32>
    %add3A_860 = arith.constant 256 : i32
    %add3A_861 = vector.broadcast %add3A_860 : i32 to vector<16xi32>
    %add3A_862 = arith.addi %get3A_854, %add3A_861 : vector<16xi32>
    %shift_right_arithmetic3A_863 = arith.constant 3 : i32
    %shift_right_arithmetic3A_864 = vector.broadcast %shift_right_arithmetic3A_863 : i32 to vector<16xi32>
    %shift_right_arithmetic3A_865 = arith.shrsi %add3A_862, %shift_right_arithmetic3A_864 : vector<16xi32>
    %shift_left3A_866 = arith.constant 7 : i32
    %shift_left3A_867 = vector.broadcast %shift_left3A_866 : i32 to vector<16xi32>
    %shift_left3A_868 = arith.shli %shift_right_arithmetic3A_865, %shift_left3A_867 : vector<16xi32>
    %shift_right_arithmetic3A_869 = arith.constant 7 : i32
    %shift_right_arithmetic3A_870 = vector.broadcast %shift_right_arithmetic3A_869 : i32 to vector<16xi32>
    %shift_right_arithmetic3A_871 = arith.shrsi %add3A_859, %shift_right_arithmetic3A_870 : vector<16xi32>
    %or3A_872 = arith.ori %shift_left3A_868, %shift_right_arithmetic3A_871 : vector<16xi32>
    %shift_left3A_873 = arith.constant 10 : i32
    %shift_left3A_874 = vector.broadcast %shift_left3A_873 : i32 to vector<16xi32>
    %shift_left3A_875 = arith.shli %or3A_872, %shift_left3A_874 : vector<16xi32>
    %and3A_876 = arith.constant 7 : i32
    %and3A_877 = vector.broadcast %and3A_876 : i32 to vector<16xi32>
    %and3A_878 = arith.andi %add3A_862, %and3A_877 : vector<16xi32>
    %shift_left3A_879 = arith.constant 7 : i32
    %shift_left3A_880 = vector.broadcast %shift_left3A_879 : i32 to vector<16xi32>
    %shift_left3A_881 = arith.shli %and3A_878, %shift_left3A_880 : vector<16xi32>
    %or3A_882 = arith.ori %shift_left3A_875, %shift_left3A_881 : vector<16xi32>
    %and3A_883 = arith.constant 127 : i32
    %and3A_884 = vector.broadcast %and3A_883 : i32 to vector<16xi32>
    %and3A_885 = arith.andi %add3A_859, %and3A_884 : vector<16xi32>
    %or3A_886 = arith.ori %or3A_882, %and3A_885 : vector<16xi32>
    %swap3A_887 = arith.constant 272 : index
    %swap3A_888 = tpu.vector_load %arg6[%swap3A_887] {strides = array<i32>} : memref<512xi32, #tpu.memory_space<vmem>>, vector<16xi32>,
    %swap3A_889 = vector.shape_cast %swap3A_888 : vector<16xi32> to vector<16xi32>
    %swap3A_890 = vector.shape_cast %or3A_886 : vector<16xi32> to vector<16xi32>
    tpu.vector_store %arg6[%swap3A_887], %swap3A_890 {strides = array<i32>} : memref<512xi32, #tpu.memory_space<vmem>>, vector<16xi32>,
    %get3A_891 = arith.constant 288 : index
    %get3A_892 = tpu.vector_load %arg5[%get3A_891] {strides = array<i32>} : memref<512xi32, #tpu.memory_space<vmem>>, vector<16xi32>,
    %get3A_893 = vector.shape_cast %get3A_892 : vector<16xi32> to vector<16xi32>
    %add3A_894 = arith.constant 288 : i32
    %add3A_895 = arith.addi %mul3A_2, %add3A_894 : i32
    %iota3A_896 = tpu.iota {dimensions = array<i32: 0>} : vector<16xi32>
    %add3A_897 = vector.broadcast %add3A_895 : i32 to vector<16xi32>
    %add3A_898 = arith.addi %add3A_897, %iota3A_896 : vector<16xi32>
    %add3A_899 = arith.constant 256 : i32
    %add3A_900 = vector.broadcast %add3A_899 : i32 to vector<16xi32>
    %add3A_901 = arith.addi %get3A_893, %add3A_900 : vector<16xi32>
    %shift_right_arithmetic3A_902 = arith.constant 3 : i32
    %shift_right_arithmetic3A_903 = vector.broadcast %shift_right_arithmetic3A_902 : i32 to vector<16xi32>
    %shift_right_arithmetic3A_904 = arith.shrsi %add3A_901, %shift_right_arithmetic3A_903 : vector<16xi32>
    %shift_left3A_905 = arith.constant 7 : i32
    %shift_left3A_906 = vector.broadcast %shift_left3A_905 : i32 to vector<16xi32>
    %shift_left3A_907 = arith.shli %shift_right_arithmetic3A_904, %shift_left3A_906 : vector<16xi32>
    %shift_right_arithmetic3A_908 = arith.constant 7 : i32
    %shift_right_arithmetic3A_909 = vector.broadcast %shift_right_arithmetic3A_908 : i32 to vector<16xi32>
    %shift_right_arithmetic3A_910 = arith.shrsi %add3A_898, %shift_right_arithmetic3A_909 : vector<16xi32>
    %or3A_911 = arith.ori %shift_left3A_907, %shift_right_arithmetic3A_910 : vector<16xi32>
    %shift_left3A_912 = arith.constant 10 : i32
    %shift_left3A_913 = vector.broadcast %shift_left3A_912 : i32 to vector<16xi32>
    %shift_left3A_914 = arith.shli %or3A_911, %shift_left3A_913 : vector<16xi32>
    %and3A_915 = arith.constant 7 : i32
    %and3A_916 = vector.broadcast %and3A_915 : i32 to vector<16xi32>
    %and3A_917 = arith.andi %add3A_901, %and3A_916 : vector<16xi32>
    %shift_left3A_918 = arith.constant 7 : i32
    %shift_left3A_919 = vector.broadcast %shift_left3A_918 : i32 to vector<16xi32>
    %shift_left3A_920 = arith.shli %and3A_917, %shift_left3A_919 : vector<16xi32>
    %or3A_921 = arith.ori %shift_left3A_914, %shift_left3A_920 : vector<16xi32>
    %and3A_922 = arith.constant 127 : i32
    %and3A_923 = vector.broadcast %and3A_922 : i32 to vector<16xi32>
    %and3A_924 = arith.andi %add3A_898, %and3A_923 : vector<16xi32>
    %or3A_925 = arith.ori %or3A_921, %and3A_924 : vector<16xi32>
    %swap3A_926 = arith.constant 288 : index
    %swap3A_927 = tpu.vector_load %arg6[%swap3A_926] {strides = array<i32>} : memref<512xi32, #tpu.memory_space<vmem>>, vector<16xi32>,
    %swap3A_928 = vector.shape_cast %swap3A_927 : vector<16xi32> to vector<16xi32>
    %swap3A_929 = vector.shape_cast %or3A_925 : vector<16xi32> to vector<16xi32>
    tpu.vector_store %arg6[%swap3A_926], %swap3A_929 {strides = array<i32>} : memref<512xi32, #tpu.memory_space<vmem>>, vector<16xi32>,
    %get3A_930 = arith.constant 304 : index
    %get3A_931 = tpu.vector_load %arg5[%get3A_930] {strides = array<i32>} : memref<512xi32, #tpu.memory_space<vmem>>, vector<16xi32>,
    %get3A_932 = vector.shape_cast %get3A_931 : vector<16xi32> to vector<16xi32>
    %add3A_933 = arith.constant 304 : i32
    %add3A_934 = arith.addi %mul3A_2, %add3A_933 : i32
    %iota3A_935 = tpu.iota {dimensions = array<i32: 0>} : vector<16xi32>
    %add3A_936 = vector.broadcast %add3A_934 : i32 to vector<16xi32>
    %add3A_937 = arith.addi %add3A_936, %iota3A_935 : vector<16xi32>
    %add3A_938 = arith.constant 256 : i32
    %add3A_939 = vector.broadcast %add3A_938 : i32 to vector<16xi32>
    %add3A_940 = arith.addi %get3A_932, %add3A_939 : vector<16xi32>
    %shift_right_arithmetic3A_941 = arith.constant 3 : i32
    %shift_right_arithmetic3A_942 = vector.broadcast %shift_right_arithmetic3A_941 : i32 to vector<16xi32>
    %shift_right_arithmetic3A_943 = arith.shrsi %add3A_940, %shift_right_arithmetic3A_942 : vector<16xi32>
    %shift_left3A_944 = arith.constant 7 : i32
    %shift_left3A_945 = vector.broadcast %shift_left3A_944 : i32 to vector<16xi32>
    %shift_left3A_946 = arith.shli %shift_right_arithmetic3A_943, %shift_left3A_945 : vector<16xi32>
    %shift_right_arithmetic3A_947 = arith.constant 7 : i32
    %shift_right_arithmetic3A_948 = vector.broadcast %shift_right_arithmetic3A_947 : i32 to vector<16xi32>
    %shift_right_arithmetic3A_949 = arith.shrsi %add3A_937, %shift_right_arithmetic3A_948 : vector<16xi32>
    %or3A_950 = arith.ori %shift_left3A_946, %shift_right_arithmetic3A_949 : vector<16xi32>
    %shift_left3A_951 = arith.constant 10 : i32
    %shift_left3A_952 = vector.broadcast %shift_left3A_951 : i32 to vector<16xi32>
    %shift_left3A_953 = arith.shli %or3A_950, %shift_left3A_952 : vector<16xi32>
    %and3A_954 = arith.constant 7 : i32
    %and3A_955 = vector.broadcast %and3A_954 : i32 to vector<16xi32>
    %and3A_956 = arith.andi %add3A_940, %and3A_955 : vector<16xi32>
    %shift_left3A_957 = arith.constant 7 : i32
    %shift_left3A_958 = vector.broadcast %shift_left3A_957 : i32 to vector<16xi32>
    %shift_left3A_959 = arith.shli %and3A_956, %shift_left3A_958 : vector<16xi32>
    %or3A_960 = arith.ori %shift_left3A_953, %shift_left3A_959 : vector<16xi32>
    %and3A_961 = arith.constant 127 : i32
    %and3A_962 = vector.broadcast %and3A_961 : i32 to vector<16xi32>
    %and3A_963 = arith.andi %add3A_937, %and3A_962 : vector<16xi32>
    %or3A_964 = arith.ori %or3A_960, %and3A_963 : vector<16xi32>
    %swap3A_965 = arith.constant 304 : index
    %swap3A_966 = tpu.vector_load %arg6[%swap3A_965] {strides = array<i32>} : memref<512xi32, #tpu.memory_space<vmem>>, vector<16xi32>,
    %swap3A_967 = vector.shape_cast %swap3A_966 : vector<16xi32> to vector<16xi32>
    %swap3A_968 = vector.shape_cast %or3A_964 : vector<16xi32> to vector<16xi32>
    tpu.vector_store %arg6[%swap3A_965], %swap3A_968 {strides = array<i32>} : memref<512xi32, #tpu.memory_space<vmem>>, vector<16xi32>,
    %get3A_969 = arith.constant 320 : index
    %get3A_970 = tpu.vector_load %arg5[%get3A_969] {strides = array<i32>} : memref<512xi32, #tpu.memory_space<vmem>>, vector<16xi32>,
    %get3A_971 = vector.shape_cast %get3A_970 : vector<16xi32> to vector<16xi32>
    %add3A_972 = arith.constant 320 : i32
    %add3A_973 = arith.addi %mul3A_2, %add3A_972 : i32
    %iota3A_974 = tpu.iota {dimensions = array<i32: 0>} : vector<16xi32>
    %add3A_975 = vector.broadcast %add3A_973 : i32 to vector<16xi32>
    %add3A_976 = arith.addi %add3A_975, %iota3A_974 : vector<16xi32>
    %add3A_977 = arith.constant 256 : i32
    %add3A_978 = vector.broadcast %add3A_977 : i32 to vector<16xi32>
    %add3A_979 = arith.addi %get3A_971, %add3A_978 : vector<16xi32>
    %shift_right_arithmetic3A_980 = arith.constant 3 : i32
    %shift_right_arithmetic3A_981 = vector.broadcast %shift_right_arithmetic3A_980 : i32 to vector<16xi32>
    %shift_right_arithmetic3A_982 = arith.shrsi %add3A_979, %shift_right_arithmetic3A_981 : vector<16xi32>
    %shift_left3A_983 = arith.constant 7 : i32
    %shift_left3A_984 = vector.broadcast %shift_left3A_983 : i32 to vector<16xi32>
    %shift_left3A_985 = arith.shli %shift_right_arithmetic3A_982, %shift_left3A_984 : vector<16xi32>
    %shift_right_arithmetic3A_986 = arith.constant 7 : i32
    %shift_right_arithmetic3A_987 = vector.broadcast %shift_right_arithmetic3A_986 : i32 to vector<16xi32>
    %shift_right_arithmetic3A_988 = arith.shrsi %add3A_976, %shift_right_arithmetic3A_987 : vector<16xi32>
    %or3A_989 = arith.ori %shift_left3A_985, %shift_right_arithmetic3A_988 : vector<16xi32>
    %shift_left3A_990 = arith.constant 10 : i32
    %shift_left3A_991 = vector.broadcast %shift_left3A_990 : i32 to vector<16xi32>
    %shift_left3A_992 = arith.shli %or3A_989, %shift_left3A_991 : vector<16xi32>
    %and3A_993 = arith.constant 7 : i32
    %and3A_994 = vector.broadcast %and3A_993 : i32 to vector<16xi32>
    %and3A_995 = arith.andi %add3A_979, %and3A_994 : vector<16xi32>
    %shift_left3A_996 = arith.constant 7 : i32
    %shift_left3A_997 = vector.broadcast %shift_left3A_996 : i32 to vector<16xi32>
    %shift_left3A_998 = arith.shli %and3A_995, %shift_left3A_997 : vector<16xi32>
    %or3A_999 = arith.ori %shift_left3A_992, %shift_left3A_998 : vector<16xi32>
    %and3A_1000 = arith.constant 127 : i32
    %and3A_1001 = vector.broadcast %and3A_1000 : i32 to vector<16xi32>
    %and3A_1002 = arith.andi %add3A_976, %and3A_1001 : vector<16xi32>
    %or3A_1003 = arith.ori %or3A_999, %and3A_1002 : vector<16xi32>
    %swap3A_1004 = arith.constant 320 : index
    %swap3A_1005 = tpu.vector_load %arg6[%swap3A_1004] {strides = array<i32>} : memref<512xi32, #tpu.memory_space<vmem>>, vector<16xi32>,
    %swap3A_1006 = vector.shape_cast %swap3A_1005 : vector<16xi32> to vector<16xi32>
    %swap3A_1007 = vector.shape_cast %or3A_1003 : vector<16xi32> to vector<16xi32>
    tpu.vector_store %arg6[%swap3A_1004], %swap3A_1007 {strides = array<i32>} : memref<512xi32, #tpu.memory_space<vmem>>, vector<16xi32>,
    %get3A_1008 = arith.constant 336 : index
    %get3A_1009 = tpu.vector_load %arg5[%get3A_1008] {strides = array<i32>} : memref<512xi32, #tpu.memory_space<vmem>>, vector<16xi32>,
    %get3A_1010 = vector.shape_cast %get3A_1009 : vector<16xi32> to vector<16xi32>
    %add3A_1011 = arith.constant 336 : i32
    %add3A_1012 = arith.addi %mul3A_2, %add3A_1011 : i32
    %iota3A_1013 = tpu.iota {dimensions = array<i32: 0>} : vector<16xi32>
    %add3A_1014 = vector.broadcast %add3A_1012 : i32 to vector<16xi32>
    %add3A_1015 = arith.addi %add3A_1014, %iota3A_1013 : vector<16xi32>
    %add3A_1016 = arith.constant 256 : i32
    %add3A_1017 = vector.broadcast %add3A_1016 : i32 to vector<16xi32>
    %add3A_1018 = arith.addi %get3A_1010, %add3A_1017 : vector<16xi32>
    %shift_right_arithmetic3A_1019 = arith.constant 3 : i32
    %shift_right_arithmetic3A_1020 = vector.broadcast %shift_right_arithmetic3A_1019 : i32 to vector<16xi32>
    %shift_right_arithmetic3A_1021 = arith.shrsi %add3A_1018, %shift_right_arithmetic3A_1020 : vector<16xi32>
    %shift_left3A_1022 = arith.constant 7 : i32
    %shift_left3A_1023 = vector.broadcast %shift_left3A_1022 : i32 to vector<16xi32>
    %shift_left3A_1024 = arith.shli %shift_right_arithmetic3A_1021, %shift_left3A_1023 : vector<16xi32>
    %shift_right_arithmetic3A_1025 = arith.constant 7 : i32
    %shift_right_arithmetic3A_1026 = vector.broadcast %shift_right_arithmetic3A_1025 : i32 to vector<16xi32>
    %shift_right_arithmetic3A_1027 = arith.shrsi %add3A_1015, %shift_right_arithmetic3A_1026 : vector<16xi32>
    %or3A_1028 = arith.ori %shift_left3A_1024, %shift_right_arithmetic3A_1027 : vector<16xi32>
    %shift_left3A_1029 = arith.constant 10 : i32
    %shift_left3A_1030 = vector.broadcast %shift_left3A_1029 : i32 to vector<16xi32>
    %shift_left3A_1031 = arith.shli %or3A_1028, %shift_left3A_1030 : vector<16xi32>
    %and3A_1032 = arith.constant 7 : i32
    %and3A_1033 = vector.broadcast %and3A_1032 : i32 to vector<16xi32>
    %and3A_1034 = arith.andi %add3A_1018, %and3A_1033 : vector<16xi32>
    %shift_left3A_1035 = arith.constant 7 : i32
    %shift_left3A_1036 = vector.broadcast %shift_left3A_1035 : i32 to vector<16xi32>
    %shift_left3A_1037 = arith.shli %and3A_1034, %shift_left3A_1036 : vector<16xi32>
    %or3A_1038 = arith.ori %shift_left3A_1031, %shift_left3A_1037 : vector<16xi32>
    %and3A_1039 = arith.constant 127 : i32
    %and3A_1040 = vector.broadcast %and3A_1039 : i32 to vector<16xi32>
    %and3A_1041 = arith.andi %add3A_1015, %and3A_1040 : vector<16xi32>
    %or3A_1042 = arith.ori %or3A_1038, %and3A_1041 : vector<16xi32>
    %swap3A_1043 = arith.constant 336 : index
    %swap3A_1044 = tpu.vector_load %arg6[%swap3A_1043] {strides = array<i32>} : memref<512xi32, #tpu.memory_space<vmem>>, vector<16xi32>,
    %swap3A_1045 = vector.shape_cast %swap3A_1044 : vector<16xi32> to vector<16xi32>
    %swap3A_1046 = vector.shape_cast %or3A_1042 : vector<16xi32> to vector<16xi32>
    tpu.vector_store %arg6[%swap3A_1043], %swap3A_1046 {strides = array<i32>} : memref<512xi32, #tpu.memory_space<vmem>>, vector<16xi32>,
    %get3A_1047 = arith.constant 352 : index
    %get3A_1048 = tpu.vector_load %arg5[%get3A_1047] {strides = array<i32>} : memref<512xi32, #tpu.memory_space<vmem>>, vector<16xi32>,
    %get3A_1049 = vector.shape_cast %get3A_1048 : vector<16xi32> to vector<16xi32>
    %add3A_1050 = arith.constant 352 : i32
    %add3A_1051 = arith.addi %mul3A_2, %add3A_1050 : i32
    %iota3A_1052 = tpu.iota {dimensions = array<i32: 0>} : vector<16xi32>
    %add3A_1053 = vector.broadcast %add3A_1051 : i32 to vector<16xi32>
    %add3A_1054 = arith.addi %add3A_1053, %iota3A_1052 : vector<16xi32>
    %add3A_1055 = arith.constant 256 : i32
    %add3A_1056 = vector.broadcast %add3A_1055 : i32 to vector<16xi32>
    %add3A_1057 = arith.addi %get3A_1049, %add3A_1056 : vector<16xi32>
    %shift_right_arithmetic3A_1058 = arith.constant 3 : i32
    %shift_right_arithmetic3A_1059 = vector.broadcast %shift_right_arithmetic3A_1058 : i32 to vector<16xi32>
    %shift_right_arithmetic3A_1060 = arith.shrsi %add3A_1057, %shift_right_arithmetic3A_1059 : vector<16xi32>
    %shift_left3A_1061 = arith.constant 7 : i32
    %shift_left3A_1062 = vector.broadcast %shift_left3A_1061 : i32 to vector<16xi32>
    %shift_left3A_1063 = arith.shli %shift_right_arithmetic3A_1060, %shift_left3A_1062 : vector<16xi32>
    %shift_right_arithmetic3A_1064 = arith.constant 7 : i32
    %shift_right_arithmetic3A_1065 = vector.broadcast %shift_right_arithmetic3A_1064 : i32 to vector<16xi32>
    %shift_right_arithmetic3A_1066 = arith.shrsi %add3A_1054, %shift_right_arithmetic3A_1065 : vector<16xi32>
    %or3A_1067 = arith.ori %shift_left3A_1063, %shift_right_arithmetic3A_1066 : vector<16xi32>
    %shift_left3A_1068 = arith.constant 10 : i32
    %shift_left3A_1069 = vector.broadcast %shift_left3A_1068 : i32 to vector<16xi32>
    %shift_left3A_1070 = arith.shli %or3A_1067, %shift_left3A_1069 : vector<16xi32>
    %and3A_1071 = arith.constant 7 : i32
    %and3A_1072 = vector.broadcast %and3A_1071 : i32 to vector<16xi32>
    %and3A_1073 = arith.andi %add3A_1057, %and3A_1072 : vector<16xi32>
    %shift_left3A_1074 = arith.constant 7 : i32
    %shift_left3A_1075 = vector.broadcast %shift_left3A_1074 : i32 to vector<16xi32>
    %shift_left3A_1076 = arith.shli %and3A_1073, %shift_left3A_1075 : vector<16xi32>
    %or3A_1077 = arith.ori %shift_left3A_1070, %shift_left3A_1076 : vector<16xi32>
    %and3A_1078 = arith.constant 127 : i32
    %and3A_1079 = vector.broadcast %and3A_1078 : i32 to vector<16xi32>
    %and3A_1080 = arith.andi %add3A_1054, %and3A_1079 : vector<16xi32>
    %or3A_1081 = arith.ori %or3A_1077, %and3A_1080 : vector<16xi32>
    %swap3A_1082 = arith.constant 352 : index
    %swap3A_1083 = tpu.vector_load %arg6[%swap3A_1082] {strides = array<i32>} : memref<512xi32, #tpu.memory_space<vmem>>, vector<16xi32>,
    %swap3A_1084 = vector.shape_cast %swap3A_1083 : vector<16xi32> to vector<16xi32>
    %swap3A_1085 = vector.shape_cast %or3A_1081 : vector<16xi32> to vector<16xi32>
    tpu.vector_store %arg6[%swap3A_1082], %swap3A_1085 {strides = array<i32>} : memref<512xi32, #tpu.memory_space<vmem>>, vector<16xi32>,
    %get3A_1086 = arith.constant 368 : index
    %get3A_1087 = tpu.vector_load %arg5[%get3A_1086] {strides = array<i32>} : memref<512xi32, #tpu.memory_space<vmem>>, vector<16xi32>,
    %get3A_1088 = vector.shape_cast %get3A_1087 : vector<16xi32> to vector<16xi32>
    %add3A_1089 = arith.constant 368 : i32
    %add3A_1090 = arith.addi %mul3A_2, %add3A_1089 : i32
    %iota3A_1091 = tpu.iota {dimensions = array<i32: 0>} : vector<16xi32>
    %add3A_1092 = vector.broadcast %add3A_1090 : i32 to vector<16xi32>
    %add3A_1093 = arith.addi %add3A_1092, %iota3A_1091 : vector<16xi32>
    %add3A_1094 = arith.constant 256 : i32
    %add3A_1095 = vector.broadcast %add3A_1094 : i32 to vector<16xi32>
    %add3A_1096 = arith.addi %get3A_1088, %add3A_1095 : vector<16xi32>
    %shift_right_arithmetic3A_1097 = arith.constant 3 : i32
    %shift_right_arithmetic3A_1098 = vector.broadcast %shift_right_arithmetic3A_1097 : i32 to vector<16xi32>
    %shift_right_arithmetic3A_1099 = arith.shrsi %add3A_1096, %shift_right_arithmetic3A_1098 : vector<16xi32>
    %shift_left3A_1100 = arith.constant 7 : i32
    %shift_left3A_1101 = vector.broadcast %shift_left3A_1100 : i32 to vector<16xi32>
    %shift_left3A_1102 = arith.shli %shift_right_arithmetic3A_1099, %shift_left3A_1101 : vector<16xi32>
    %shift_right_arithmetic3A_1103 = arith.constant 7 : i32
    %shift_right_arithmetic3A_1104 = vector.broadcast %shift_right_arithmetic3A_1103 : i32 to vector<16xi32>
    %shift_right_arithmetic3A_1105 = arith.shrsi %add3A_1093, %shift_right_arithmetic3A_1104 : vector<16xi32>
    %or3A_1106 = arith.ori %shift_left3A_1102, %shift_right_arithmetic3A_1105 : vector<16xi32>
    %shift_left3A_1107 = arith.constant 10 : i32
    %shift_left3A_1108 = vector.broadcast %shift_left3A_1107 : i32 to vector<16xi32>
    %shift_left3A_1109 = arith.shli %or3A_1106, %shift_left3A_1108 : vector<16xi32>
    %and3A_1110 = arith.constant 7 : i32
    %and3A_1111 = vector.broadcast %and3A_1110 : i32 to vector<16xi32>
    %and3A_1112 = arith.andi %add3A_1096, %and3A_1111 : vector<16xi32>
    %shift_left3A_1113 = arith.constant 7 : i32
    %shift_left3A_1114 = vector.broadcast %shift_left3A_1113 : i32 to vector<16xi32>
    %shift_left3A_1115 = arith.shli %and3A_1112, %shift_left3A_1114 : vector<16xi32>
    %or3A_1116 = arith.ori %shift_left3A_1109, %shift_left3A_1115 : vector<16xi32>
    %and3A_1117 = arith.constant 127 : i32
    %and3A_1118 = vector.broadcast %and3A_1117 : i32 to vector<16xi32>
    %and3A_1119 = arith.andi %add3A_1093, %and3A_1118 : vector<16xi32>
    %or3A_1120 = arith.ori %or3A_1116, %and3A_1119 : vector<16xi32>
    %swap3A_1121 = arith.constant 368 : index
    %swap3A_1122 = tpu.vector_load %arg6[%swap3A_1121] {strides = array<i32>} : memref<512xi32, #tpu.memory_space<vmem>>, vector<16xi32>,
    %swap3A_1123 = vector.shape_cast %swap3A_1122 : vector<16xi32> to vector<16xi32>
    %swap3A_1124 = vector.shape_cast %or3A_1120 : vector<16xi32> to vector<16xi32>
    tpu.vector_store %arg6[%swap3A_1121], %swap3A_1124 {strides = array<i32>} : memref<512xi32, #tpu.memory_space<vmem>>, vector<16xi32>,
    %get3A_1125 = arith.constant 384 : index
    %get3A_1126 = tpu.vector_load %arg5[%get3A_1125] {strides = array<i32>} : memref<512xi32, #tpu.memory_space<vmem>>, vector<16xi32>,
    %get3A_1127 = vector.shape_cast %get3A_1126 : vector<16xi32> to vector<16xi32>
    %add3A_1128 = arith.constant 384 : i32
    %add3A_1129 = arith.addi %mul3A_2, %add3A_1128 : i32
    %iota3A_1130 = tpu.iota {dimensions = array<i32: 0>} : vector<16xi32>
    %add3A_1131 = vector.broadcast %add3A_1129 : i32 to vector<16xi32>
    %add3A_1132 = arith.addi %add3A_1131, %iota3A_1130 : vector<16xi32>
    %add3A_1133 = arith.constant 256 : i32
    %add3A_1134 = vector.broadcast %add3A_1133 : i32 to vector<16xi32>
    %add3A_1135 = arith.addi %get3A_1127, %add3A_1134 : vector<16xi32>
    %shift_right_arithmetic3A_1136 = arith.constant 3 : i32
    %shift_right_arithmetic3A_1137 = vector.broadcast %shift_right_arithmetic3A_1136 : i32 to vector<16xi32>
    %shift_right_arithmetic3A_1138 = arith.shrsi %add3A_1135, %shift_right_arithmetic3A_1137 : vector<16xi32>
    %shift_left3A_1139 = arith.constant 7 : i32
    %shift_left3A_1140 = vector.broadcast %shift_left3A_1139 : i32 to vector<16xi32>
    %shift_left3A_1141 = arith.shli %shift_right_arithmetic3A_1138, %shift_left3A_1140 : vector<16xi32>
    %shift_right_arithmetic3A_1142 = arith.constant 7 : i32
    %shift_right_arithmetic3A_1143 = vector.broadcast %shift_right_arithmetic3A_1142 : i32 to vector<16xi32>
    %shift_right_arithmetic3A_1144 = arith.shrsi %add3A_1132, %shift_right_arithmetic3A_1143 : vector<16xi32>
    %or3A_1145 = arith.ori %shift_left3A_1141, %shift_right_arithmetic3A_1144 : vector<16xi32>
    %shift_left3A_1146 = arith.constant 10 : i32
    %shift_left3A_1147 = vector.broadcast %shift_left3A_1146 : i32 to vector<16xi32>
    %shift_left3A_1148 = arith.shli %or3A_1145, %shift_left3A_1147 : vector<16xi32>
    %and3A_1149 = arith.constant 7 : i32
    %and3A_1150 = vector.broadcast %and3A_1149 : i32 to vector<16xi32>
    %and3A_1151 = arith.andi %add3A_1135, %and3A_1150 : vector<16xi32>
    %shift_left3A_1152 = arith.constant 7 : i32
    %shift_left3A_1153 = vector.broadcast %shift_left3A_1152 : i32 to vector<16xi32>
    %shift_left3A_1154 = arith.shli %and3A_1151, %shift_left3A_1153 : vector<16xi32>
    %or3A_1155 = arith.ori %shift_left3A_1148, %shift_left3A_1154 : vector<16xi32>
    %and3A_1156 = arith.constant 127 : i32
    %and3A_1157 = vector.broadcast %and3A_1156 : i32 to vector<16xi32>
    %and3A_1158 = arith.andi %add3A_1132, %and3A_1157 : vector<16xi32>
    %or3A_1159 = arith.ori %or3A_1155, %and3A_1158 : vector<16xi32>
    %swap3A_1160 = arith.constant 384 : index
    %swap3A_1161 = tpu.vector_load %arg6[%swap3A_1160] {strides = array<i32>} : memref<512xi32, #tpu.memory_space<vmem>>, vector<16xi32>,
    %swap3A_1162 = vector.shape_cast %swap3A_1161 : vector<16xi32> to vector<16xi32>
    %swap3A_1163 = vector.shape_cast %or3A_1159 : vector<16xi32> to vector<16xi32>
    tpu.vector_store %arg6[%swap3A_1160], %swap3A_1163 {strides = array<i32>} : memref<512xi32, #tpu.memory_space<vmem>>, vector<16xi32>,
    %get3A_1164 = arith.constant 400 : index
    %get3A_1165 = tpu.vector_load %arg5[%get3A_1164] {strides = array<i32>} : memref<512xi32, #tpu.memory_space<vmem>>, vector<16xi32>,
    %get3A_1166 = vector.shape_cast %get3A_1165 : vector<16xi32> to vector<16xi32>
    %add3A_1167 = arith.constant 400 : i32
    %add3A_1168 = arith.addi %mul3A_2, %add3A_1167 : i32
    %iota3A_1169 = tpu.iota {dimensions = array<i32: 0>} : vector<16xi32>
    %add3A_1170 = vector.broadcast %add3A_1168 : i32 to vector<16xi32>
    %add3A_1171 = arith.addi %add3A_1170, %iota3A_1169 : vector<16xi32>
    %add3A_1172 = arith.constant 256 : i32
    %add3A_1173 = vector.broadcast %add3A_1172 : i32 to vector<16xi32>
    %add3A_1174 = arith.addi %get3A_1166, %add3A_1173 : vector<16xi32>
    %shift_right_arithmetic3A_1175 = arith.constant 3 : i32
    %shift_right_arithmetic3A_1176 = vector.broadcast %shift_right_arithmetic3A_1175 : i32 to vector<16xi32>
    %shift_right_arithmetic3A_1177 = arith.shrsi %add3A_1174, %shift_right_arithmetic3A_1176 : vector<16xi32>
    %shift_left3A_1178 = arith.constant 7 : i32
    %shift_left3A_1179 = vector.broadcast %shift_left3A_1178 : i32 to vector<16xi32>
    %shift_left3A_1180 = arith.shli %shift_right_arithmetic3A_1177, %shift_left3A_1179 : vector<16xi32>
    %shift_right_arithmetic3A_1181 = arith.constant 7 : i32
    %shift_right_arithmetic3A_1182 = vector.broadcast %shift_right_arithmetic3A_1181 : i32 to vector<16xi32>
    %shift_right_arithmetic3A_1183 = arith.shrsi %add3A_1171, %shift_right_arithmetic3A_1182 : vector<16xi32>
    %or3A_1184 = arith.ori %shift_left3A_1180, %shift_right_arithmetic3A_1183 : vector<16xi32>
    %shift_left3A_1185 = arith.constant 10 : i32
    %shift_left3A_1186 = vector.broadcast %shift_left3A_1185 : i32 to vector<16xi32>
    %shift_left3A_1187 = arith.shli %or3A_1184, %shift_left3A_1186 : vector<16xi32>
    %and3A_1188 = arith.constant 7 : i32
    %and3A_1189 = vector.broadcast %and3A_1188 : i32 to vector<16xi32>
    %and3A_1190 = arith.andi %add3A_1174, %and3A_1189 : vector<16xi32>
    %shift_left3A_1191 = arith.constant 7 : i32
    %shift_left3A_1192 = vector.broadcast %shift_left3A_1191 : i32 to vector<16xi32>
    %shift_left3A_1193 = arith.shli %and3A_1190, %shift_left3A_1192 : vector<16xi32>
    %or3A_1194 = arith.ori %shift_left3A_1187, %shift_left3A_1193 : vector<16xi32>
    %and3A_1195 = arith.constant 127 : i32
    %and3A_1196 = vector.broadcast %and3A_1195 : i32 to vector<16xi32>
    %and3A_1197 = arith.andi %add3A_1171, %and3A_1196 : vector<16xi32>
    %or3A_1198 = arith.ori %or3A_1194, %and3A_1197 : vector<16xi32>
    %swap3A_1199 = arith.constant 400 : index
    %swap3A_1200 = tpu.vector_load %arg6[%swap3A_1199] {strides = array<i32>} : memref<512xi32, #tpu.memory_space<vmem>>, vector<16xi32>,
    %swap3A_1201 = vector.shape_cast %swap3A_1200 : vector<16xi32> to vector<16xi32>
    %swap3A_1202 = vector.shape_cast %or3A_1198 : vector<16xi32> to vector<16xi32>
    tpu.vector_store %arg6[%swap3A_1199], %swap3A_1202 {strides = array<i32>} : memref<512xi32, #tpu.memory_space<vmem>>, vector<16xi32>,
    %get3A_1203 = arith.constant 416 : index
    %get3A_1204 = tpu.vector_load %arg5[%get3A_1203] {strides = array<i32>} : memref<512xi32, #tpu.memory_space<vmem>>, vector<16xi32>,
    %get3A_1205 = vector.shape_cast %get3A_1204 : vector<16xi32> to vector<16xi32>
    %add3A_1206 = arith.constant 416 : i32
    %add3A_1207 = arith.addi %mul3A_2, %add3A_1206 : i32
    %iota3A_1208 = tpu.iota {dimensions = array<i32: 0>} : vector<16xi32>
    %add3A_1209 = vector.broadcast %add3A_1207 : i32 to vector<16xi32>
    %add3A_1210 = arith.addi %add3A_1209, %iota3A_1208 : vector<16xi32>
    %add3A_1211 = arith.constant 256 : i32
    %add3A_1212 = vector.broadcast %add3A_1211 : i32 to vector<16xi32>
    %add3A_1213 = arith.addi %get3A_1205, %add3A_1212 : vector<16xi32>
    %shift_right_arithmetic3A_1214 = arith.constant 3 : i32
    %shift_right_arithmetic3A_1215 = vector.broadcast %shift_right_arithmetic3A_1214 : i32 to vector<16xi32>
    %shift_right_arithmetic3A_1216 = arith.shrsi %add3A_1213, %shift_right_arithmetic3A_1215 : vector<16xi32>
    %shift_left3A_1217 = arith.constant 7 : i32
    %shift_left3A_1218 = vector.broadcast %shift_left3A_1217 : i32 to vector<16xi32>
    %shift_left3A_1219 = arith.shli %shift_right_arithmetic3A_1216, %shift_left3A_1218 : vector<16xi32>
    %shift_right_arithmetic3A_1220 = arith.constant 7 : i32
    %shift_right_arithmetic3A_1221 = vector.broadcast %shift_right_arithmetic3A_1220 : i32 to vector<16xi32>
    %shift_right_arithmetic3A_1222 = arith.shrsi %add3A_1210, %shift_right_arithmetic3A_1221 : vector<16xi32>
    %or3A_1223 = arith.ori %shift_left3A_1219, %shift_right_arithmetic3A_1222 : vector<16xi32>
    %shift_left3A_1224 = arith.constant 10 : i32
    %shift_left3A_1225 = vector.broadcast %shift_left3A_1224 : i32 to vector<16xi32>
    %shift_left3A_1226 = arith.shli %or3A_1223, %shift_left3A_1225 : vector<16xi32>
    %and3A_1227 = arith.constant 7 : i32
    %and3A_1228 = vector.broadcast %and3A_1227 : i32 to vector<16xi32>
    %and3A_1229 = arith.andi %add3A_1213, %and3A_1228 : vector<16xi32>
    %shift_left3A_1230 = arith.constant 7 : i32
    %shift_left3A_1231 = vector.broadcast %shift_left3A_1230 : i32 to vector<16xi32>
    %shift_left3A_1232 = arith.shli %and3A_1229, %shift_left3A_1231 : vector<16xi32>
    %or3A_1233 = arith.ori %shift_left3A_1226, %shift_left3A_1232 : vector<16xi32>
    %and3A_1234 = arith.constant 127 : i32
    %and3A_1235 = vector.broadcast %and3A_1234 : i32 to vector<16xi32>
    %and3A_1236 = arith.andi %add3A_1210, %and3A_1235 : vector<16xi32>
    %or3A_1237 = arith.ori %or3A_1233, %and3A_1236 : vector<16xi32>
    %swap3A_1238 = arith.constant 416 : index
    %swap3A_1239 = tpu.vector_load %arg6[%swap3A_1238] {strides = array<i32>} : memref<512xi32, #tpu.memory_space<vmem>>, vector<16xi32>,
    %swap3A_1240 = vector.shape_cast %swap3A_1239 : vector<16xi32> to vector<16xi32>
    %swap3A_1241 = vector.shape_cast %or3A_1237 : vector<16xi32> to vector<16xi32>
    tpu.vector_store %arg6[%swap3A_1238], %swap3A_1241 {strides = array<i32>} : memref<512xi32, #tpu.memory_space<vmem>>, vector<16xi32>,
    %get3A_1242 = arith.constant 432 : index
    %get3A_1243 = tpu.vector_load %arg5[%get3A_1242] {strides = array<i32>} : memref<512xi32, #tpu.memory_space<vmem>>, vector<16xi32>,
    %get3A_1244 = vector.shape_cast %get3A_1243 : vector<16xi32> to vector<16xi32>
    %add3A_1245 = arith.constant 432 : i32
    %add3A_1246 = arith.addi %mul3A_2, %add3A_1245 : i32
    %iota3A_1247 = tpu.iota {dimensions = array<i32: 0>} : vector<16xi32>
    %add3A_1248 = vector.broadcast %add3A_1246 : i32 to vector<16xi32>
    %add3A_1249 = arith.addi %add3A_1248, %iota3A_1247 : vector<16xi32>
    %add3A_1250 = arith.constant 256 : i32
    %add3A_1251 = vector.broadcast %add3A_1250 : i32 to vector<16xi32>
    %add3A_1252 = arith.addi %get3A_1244, %add3A_1251 : vector<16xi32>
    %shift_right_arithmetic3A_1253 = arith.constant 3 : i32
    %shift_right_arithmetic3A_1254 = vector.broadcast %shift_right_arithmetic3A_1253 : i32 to vector<16xi32>
    %shift_right_arithmetic3A_1255 = arith.shrsi %add3A_1252, %shift_right_arithmetic3A_1254 : vector<16xi32>
    %shift_left3A_1256 = arith.constant 7 : i32
    %shift_left3A_1257 = vector.broadcast %shift_left3A_1256 : i32 to vector<16xi32>
    %shift_left3A_1258 = arith.shli %shift_right_arithmetic3A_1255, %shift_left3A_1257 : vector<16xi32>
    %shift_right_arithmetic3A_1259 = arith.constant 7 : i32
    %shift_right_arithmetic3A_1260 = vector.broadcast %shift_right_arithmetic3A_1259 : i32 to vector<16xi32>
    %shift_right_arithmetic3A_1261 = arith.shrsi %add3A_1249, %shift_right_arithmetic3A_1260 : vector<16xi32>
    %or3A_1262 = arith.ori %shift_left3A_1258, %shift_right_arithmetic3A_1261 : vector<16xi32>
    %shift_left3A_1263 = arith.constant 10 : i32
    %shift_left3A_1264 = vector.broadcast %shift_left3A_1263 : i32 to vector<16xi32>
    %shift_left3A_1265 = arith.shli %or3A_1262, %shift_left3A_1264 : vector<16xi32>
    %and3A_1266 = arith.constant 7 : i32
    %and3A_1267 = vector.broadcast %and3A_1266 : i32 to vector<16xi32>
    %and3A_1268 = arith.andi %add3A_1252, %and3A_1267 : vector<16xi32>
    %shift_left3A_1269 = arith.constant 7 : i32
    %shift_left3A_1270 = vector.broadcast %shift_left3A_1269 : i32 to vector<16xi32>
    %shift_left3A_1271 = arith.shli %and3A_1268, %shift_left3A_1270 : vector<16xi32>
    %or3A_1272 = arith.ori %shift_left3A_1265, %shift_left3A_1271 : vector<16xi32>
    %and3A_1273 = arith.constant 127 : i32
    %and3A_1274 = vector.broadcast %and3A_1273 : i32 to vector<16xi32>
    %and3A_1275 = arith.andi %add3A_1249, %and3A_1274 : vector<16xi32>
    %or3A_1276 = arith.ori %or3A_1272, %and3A_1275 : vector<16xi32>
    %swap3A_1277 = arith.constant 432 : index
    %swap3A_1278 = tpu.vector_load %arg6[%swap3A_1277] {strides = array<i32>} : memref<512xi32, #tpu.memory_space<vmem>>, vector<16xi32>,
    %swap3A_1279 = vector.shape_cast %swap3A_1278 : vector<16xi32> to vector<16xi32>
    %swap3A_1280 = vector.shape_cast %or3A_1276 : vector<16xi32> to vector<16xi32>
    tpu.vector_store %arg6[%swap3A_1277], %swap3A_1280 {strides = array<i32>} : memref<512xi32, #tpu.memory_space<vmem>>, vector<16xi32>,
    %get3A_1281 = arith.constant 448 : index
    %get3A_1282 = tpu.vector_load %arg5[%get3A_1281] {strides = array<i32>} : memref<512xi32, #tpu.memory_space<vmem>>, vector<16xi32>,
    %get3A_1283 = vector.shape_cast %get3A_1282 : vector<16xi32> to vector<16xi32>
    %add3A_1284 = arith.constant 448 : i32
    %add3A_1285 = arith.addi %mul3A_2, %add3A_1284 : i32
    %iota3A_1286 = tpu.iota {dimensions = array<i32: 0>} : vector<16xi32>
    %add3A_1287 = vector.broadcast %add3A_1285 : i32 to vector<16xi32>
    %add3A_1288 = arith.addi %add3A_1287, %iota3A_1286 : vector<16xi32>
    %add3A_1289 = arith.constant 256 : i32
    %add3A_1290 = vector.broadcast %add3A_1289 : i32 to vector<16xi32>
    %add3A_1291 = arith.addi %get3A_1283, %add3A_1290 : vector<16xi32>
    %shift_right_arithmetic3A_1292 = arith.constant 3 : i32
    %shift_right_arithmetic3A_1293 = vector.broadcast %shift_right_arithmetic3A_1292 : i32 to vector<16xi32>
    %shift_right_arithmetic3A_1294 = arith.shrsi %add3A_1291, %shift_right_arithmetic3A_1293 : vector<16xi32>
    %shift_left3A_1295 = arith.constant 7 : i32
    %shift_left3A_1296 = vector.broadcast %shift_left3A_1295 : i32 to vector<16xi32>
    %shift_left3A_1297 = arith.shli %shift_right_arithmetic3A_1294, %shift_left3A_1296 : vector<16xi32>
    %shift_right_arithmetic3A_1298 = arith.constant 7 : i32
    %shift_right_arithmetic3A_1299 = vector.broadcast %shift_right_arithmetic3A_1298 : i32 to vector<16xi32>
    %shift_right_arithmetic3A_1300 = arith.shrsi %add3A_1288, %shift_right_arithmetic3A_1299 : vector<16xi32>
    %or3A_1301 = arith.ori %shift_left3A_1297, %shift_right_arithmetic3A_1300 : vector<16xi32>
    %shift_left3A_1302 = arith.constant 10 : i32
    %shift_left3A_1303 = vector.broadcast %shift_left3A_1302 : i32 to vector<16xi32>
    %shift_left3A_1304 = arith.shli %or3A_1301, %shift_left3A_1303 : vector<16xi32>
    %and3A_1305 = arith.constant 7 : i32
    %and3A_1306 = vector.broadcast %and3A_1305 : i32 to vector<16xi32>
    %and3A_1307 = arith.andi %add3A_1291, %and3A_1306 : vector<16xi32>
    %shift_left3A_1308 = arith.constant 7 : i32
    %shift_left3A_1309 = vector.broadcast %shift_left3A_1308 : i32 to vector<16xi32>
    %shift_left3A_1310 = arith.shli %and3A_1307, %shift_left3A_1309 : vector<16xi32>
    %or3A_1311 = arith.ori %shift_left3A_1304, %shift_left3A_1310 : vector<16xi32>
    %and3A_1312 = arith.constant 127 : i32
    %and3A_1313 = vector.broadcast %and3A_1312 : i32 to vector<16xi32>
    %and3A_1314 = arith.andi %add3A_1288, %and3A_1313 : vector<16xi32>
    %or3A_1315 = arith.ori %or3A_1311, %and3A_1314 : vector<16xi32>
    %swap3A_1316 = arith.constant 448 : index
    %swap3A_1317 = tpu.vector_load %arg6[%swap3A_1316] {strides = array<i32>} : memref<512xi32, #tpu.memory_space<vmem>>, vector<16xi32>,
    %swap3A_1318 = vector.shape_cast %swap3A_1317 : vector<16xi32> to vector<16xi32>
    %swap3A_1319 = vector.shape_cast %or3A_1315 : vector<16xi32> to vector<16xi32>
    tpu.vector_store %arg6[%swap3A_1316], %swap3A_1319 {strides = array<i32>} : memref<512xi32, #tpu.memory_space<vmem>>, vector<16xi32>,
    %get3A_1320 = arith.constant 464 : index
    %get3A_1321 = tpu.vector_load %arg5[%get3A_1320] {strides = array<i32>} : memref<512xi32, #tpu.memory_space<vmem>>, vector<16xi32>,
    %get3A_1322 = vector.shape_cast %get3A_1321 : vector<16xi32> to vector<16xi32>
    %add3A_1323 = arith.constant 464 : i32
    %add3A_1324 = arith.addi %mul3A_2, %add3A_1323 : i32
    %iota3A_1325 = tpu.iota {dimensions = array<i32: 0>} : vector<16xi32>
    %add3A_1326 = vector.broadcast %add3A_1324 : i32 to vector<16xi32>
    %add3A_1327 = arith.addi %add3A_1326, %iota3A_1325 : vector<16xi32>
    %add3A_1328 = arith.constant 256 : i32
    %add3A_1329 = vector.broadcast %add3A_1328 : i32 to vector<16xi32>
    %add3A_1330 = arith.addi %get3A_1322, %add3A_1329 : vector<16xi32>
    %shift_right_arithmetic3A_1331 = arith.constant 3 : i32
    %shift_right_arithmetic3A_1332 = vector.broadcast %shift_right_arithmetic3A_1331 : i32 to vector<16xi32>
    %shift_right_arithmetic3A_1333 = arith.shrsi %add3A_1330, %shift_right_arithmetic3A_1332 : vector<16xi32>
    %shift_left3A_1334 = arith.constant 7 : i32
    %shift_left3A_1335 = vector.broadcast %shift_left3A_1334 : i32 to vector<16xi32>
    %shift_left3A_1336 = arith.shli %shift_right_arithmetic3A_1333, %shift_left3A_1335 : vector<16xi32>
    %shift_right_arithmetic3A_1337 = arith.constant 7 : i32
    %shift_right_arithmetic3A_1338 = vector.broadcast %shift_right_arithmetic3A_1337 : i32 to vector<16xi32>
    %shift_right_arithmetic3A_1339 = arith.shrsi %add3A_1327, %shift_right_arithmetic3A_1338 : vector<16xi32>
    %or3A_1340 = arith.ori %shift_left3A_1336, %shift_right_arithmetic3A_1339 : vector<16xi32>
    %shift_left3A_1341 = arith.constant 10 : i32
    %shift_left3A_1342 = vector.broadcast %shift_left3A_1341 : i32 to vector<16xi32>
    %shift_left3A_1343 = arith.shli %or3A_1340, %shift_left3A_1342 : vector<16xi32>
    %and3A_1344 = arith.constant 7 : i32
    %and3A_1345 = vector.broadcast %and3A_1344 : i32 to vector<16xi32>
    %and3A_1346 = arith.andi %add3A_1330, %and3A_1345 : vector<16xi32>
    %shift_left3A_1347 = arith.constant 7 : i32
    %shift_left3A_1348 = vector.broadcast %shift_left3A_1347 : i32 to vector<16xi32>
    %shift_left3A_1349 = arith.shli %and3A_1346, %shift_left3A_1348 : vector<16xi32>
    %or3A_1350 = arith.ori %shift_left3A_1343, %shift_left3A_1349 : vector<16xi32>
    %and3A_1351 = arith.constant 127 : i32
    %and3A_1352 = vector.broadcast %and3A_1351 : i32 to vector<16xi32>
    %and3A_1353 = arith.andi %add3A_1327, %and3A_1352 : vector<16xi32>
    %or3A_1354 = arith.ori %or3A_1350, %and3A_1353 : vector<16xi32>
    %swap3A_1355 = arith.constant 464 : index
    %swap3A_1356 = tpu.vector_load %arg6[%swap3A_1355] {strides = array<i32>} : memref<512xi32, #tpu.memory_space<vmem>>, vector<16xi32>,
    %swap3A_1357 = vector.shape_cast %swap3A_1356 : vector<16xi32> to vector<16xi32>
    %swap3A_1358 = vector.shape_cast %or3A_1354 : vector<16xi32> to vector<16xi32>
    tpu.vector_store %arg6[%swap3A_1355], %swap3A_1358 {strides = array<i32>} : memref<512xi32, #tpu.memory_space<vmem>>, vector<16xi32>,
    %get3A_1359 = arith.constant 480 : index
    %get3A_1360 = tpu.vector_load %arg5[%get3A_1359] {strides = array<i32>} : memref<512xi32, #tpu.memory_space<vmem>>, vector<16xi32>,
    %get3A_1361 = vector.shape_cast %get3A_1360 : vector<16xi32> to vector<16xi32>
    %add3A_1362 = arith.constant 480 : i32
    %add3A_1363 = arith.addi %mul3A_2, %add3A_1362 : i32
    %iota3A_1364 = tpu.iota {dimensions = array<i32: 0>} : vector<16xi32>
    %add3A_1365 = vector.broadcast %add3A_1363 : i32 to vector<16xi32>
    %add3A_1366 = arith.addi %add3A_1365, %iota3A_1364 : vector<16xi32>
    %add3A_1367 = arith.constant 256 : i32
    %add3A_1368 = vector.broadcast %add3A_1367 : i32 to vector<16xi32>
    %add3A_1369 = arith.addi %get3A_1361, %add3A_1368 : vector<16xi32>
    %shift_right_arithmetic3A_1370 = arith.constant 3 : i32
    %shift_right_arithmetic3A_1371 = vector.broadcast %shift_right_arithmetic3A_1370 : i32 to vector<16xi32>
    %shift_right_arithmetic3A_1372 = arith.shrsi %add3A_1369, %shift_right_arithmetic3A_1371 : vector<16xi32>
    %shift_left3A_1373 = arith.constant 7 : i32
    %shift_left3A_1374 = vector.broadcast %shift_left3A_1373 : i32 to vector<16xi32>
    %shift_left3A_1375 = arith.shli %shift_right_arithmetic3A_1372, %shift_left3A_1374 : vector<16xi32>
    %shift_right_arithmetic3A_1376 = arith.constant 7 : i32
    %shift_right_arithmetic3A_1377 = vector.broadcast %shift_right_arithmetic3A_1376 : i32 to vector<16xi32>
    %shift_right_arithmetic3A_1378 = arith.shrsi %add3A_1366, %shift_right_arithmetic3A_1377 : vector<16xi32>
    %or3A_1379 = arith.ori %shift_left3A_1375, %shift_right_arithmetic3A_1378 : vector<16xi32>
    %shift_left3A_1380 = arith.constant 10 : i32
    %shift_left3A_1381 = vector.broadcast %shift_left3A_1380 : i32 to vector<16xi32>
    %shift_left3A_1382 = arith.shli %or3A_1379, %shift_left3A_1381 : vector<16xi32>
    %and3A_1383 = arith.constant 7 : i32
    %and3A_1384 = vector.broadcast %and3A_1383 : i32 to vector<16xi32>
    %and3A_1385 = arith.andi %add3A_1369, %and3A_1384 : vector<16xi32>
    %shift_left3A_1386 = arith.constant 7 : i32
    %shift_left3A_1387 = vector.broadcast %shift_left3A_1386 : i32 to vector<16xi32>
    %shift_left3A_1388 = arith.shli %and3A_1385, %shift_left3A_1387 : vector<16xi32>
    %or3A_1389 = arith.ori %shift_left3A_1382, %shift_left3A_1388 : vector<16xi32>
    %and3A_1390 = arith.constant 127 : i32
    %and3A_1391 = vector.broadcast %and3A_1390 : i32 to vector<16xi32>
    %and3A_1392 = arith.andi %add3A_1366, %and3A_1391 : vector<16xi32>
    %or3A_1393 = arith.ori %or3A_1389, %and3A_1392 : vector<16xi32>
    %swap3A_1394 = arith.constant 480 : index
    %swap3A_1395 = tpu.vector_load %arg6[%swap3A_1394] {strides = array<i32>} : memref<512xi32, #tpu.memory_space<vmem>>, vector<16xi32>,
    %swap3A_1396 = vector.shape_cast %swap3A_1395 : vector<16xi32> to vector<16xi32>
    %swap3A_1397 = vector.shape_cast %or3A_1393 : vector<16xi32> to vector<16xi32>
    tpu.vector_store %arg6[%swap3A_1394], %swap3A_1397 {strides = array<i32>} : memref<512xi32, #tpu.memory_space<vmem>>, vector<16xi32>,
    %get3A_1398 = arith.constant 496 : index
    %get3A_1399 = tpu.vector_load %arg5[%get3A_1398] {strides = array<i32>} : memref<512xi32, #tpu.memory_space<vmem>>, vector<16xi32>,
    %get3A_1400 = vector.shape_cast %get3A_1399 : vector<16xi32> to vector<16xi32>
    %add3A_1401 = arith.constant 496 : i32
    %add3A_1402 = arith.addi %mul3A_2, %add3A_1401 : i32
    %iota3A_1403 = tpu.iota {dimensions = array<i32: 0>} : vector<16xi32>
    %add3A_1404 = vector.broadcast %add3A_1402 : i32 to vector<16xi32>
    %add3A_1405 = arith.addi %add3A_1404, %iota3A_1403 : vector<16xi32>
    %add3A_1406 = arith.constant 256 : i32
    %add3A_1407 = vector.broadcast %add3A_1406 : i32 to vector<16xi32>
    %add3A_1408 = arith.addi %get3A_1400, %add3A_1407 : vector<16xi32>
    %shift_right_arithmetic3A_1409 = arith.constant 3 : i32
    %shift_right_arithmetic3A_1410 = vector.broadcast %shift_right_arithmetic3A_1409 : i32 to vector<16xi32>
    %shift_right_arithmetic3A_1411 = arith.shrsi %add3A_1408, %shift_right_arithmetic3A_1410 : vector<16xi32>
    %shift_left3A_1412 = arith.constant 7 : i32
    %shift_left3A_1413 = vector.broadcast %shift_left3A_1412 : i32 to vector<16xi32>
    %shift_left3A_1414 = arith.shli %shift_right_arithmetic3A_1411, %shift_left3A_1413 : vector<16xi32>
    %shift_right_arithmetic3A_1415 = arith.constant 7 : i32
    %shift_right_arithmetic3A_1416 = vector.broadcast %shift_right_arithmetic3A_1415 : i32 to vector<16xi32>
    %shift_right_arithmetic3A_1417 = arith.shrsi %add3A_1405, %shift_right_arithmetic3A_1416 : vector<16xi32>
    %or3A_1418 = arith.ori %shift_left3A_1414, %shift_right_arithmetic3A_1417 : vector<16xi32>
    %shift_left3A_1419 = arith.constant 10 : i32
    %shift_left3A_1420 = vector.broadcast %shift_left3A_1419 : i32 to vector<16xi32>
    %shift_left3A_1421 = arith.shli %or3A_1418, %shift_left3A_1420 : vector<16xi32>
    %and3A_1422 = arith.constant 7 : i32
    %and3A_1423 = vector.broadcast %and3A_1422 : i32 to vector<16xi32>
    %and3A_1424 = arith.andi %add3A_1408, %and3A_1423 : vector<16xi32>
    %shift_left3A_1425 = arith.constant 7 : i32
    %shift_left3A_1426 = vector.broadcast %shift_left3A_1425 : i32 to vector<16xi32>
    %shift_left3A_1427 = arith.shli %and3A_1424, %shift_left3A_1426 : vector<16xi32>
    %or3A_1428 = arith.ori %shift_left3A_1421, %shift_left3A_1427 : vector<16xi32>
    %and3A_1429 = arith.constant 127 : i32
    %and3A_1430 = vector.broadcast %and3A_1429 : i32 to vector<16xi32>
    %and3A_1431 = arith.andi %add3A_1405, %and3A_1430 : vector<16xi32>
    %or3A_1432 = arith.ori %or3A_1428, %and3A_1431 : vector<16xi32>
    %swap3A_1433 = arith.constant 496 : index
    %swap3A_1434 = tpu.vector_load %arg6[%swap3A_1433] {strides = array<i32>} : memref<512xi32, #tpu.memory_space<vmem>>, vector<16xi32>,
    %swap3A_1435 = vector.shape_cast %swap3A_1434 : vector<16xi32> to vector<16xi32>
    %swap3A_1436 = vector.shape_cast %or3A_1432 : vector<16xi32> to vector<16xi32>
    tpu.vector_store %arg6[%swap3A_1433], %swap3A_1436 {strides = array<i32>} : memref<512xi32, #tpu.memory_space<vmem>>, vector<16xi32>,
    %dma_start3A_1437 = arith.constant 0 : i32
    %dma_start3A_1438 = tpu.memref_slice %arg3[%dma_start3A_1437] : memref<20578304xf32, #tpu.memory_space<hbm>> -> memref<20578304xf32, #tpu.memory_space<hbm>>
    tpu.enqueue_indirect_dma source(%arg7 : memref<512xf32, #tpu.memory_space<vmem>>) target(%dma_start3A_1438 : memref<20578304xf32, #tpu.memory_space<hbm>>) offsets(%arg6 : memref<512xi32, #tpu.memory_space<vmem>>) semaphore(%arg9 : memref<!tpu.dma_semaphore, #tpu.memory_space<semaphore_mem>>)
    %dma_wait3A_1439 = arith.constant 0 : i32
    %dma_wait3A_1440 = tpu.memref_slice %arg3[%dma_wait3A_1439] : memref<20578304xf32, #tpu.memory_space<hbm>> -> memref<20578304xf32, #tpu.memory_space<hbm>>
    tpu.wait_indirect_dma semaphore(%arg9 : memref<!tpu.dma_semaphore, #tpu.memory_space<semaphore_mem>>) src(%arg7 : memref<512xf32, #tpu.memory_space<vmem>>) dst(%dma_wait3A_1440 : memref<20578304xf32, #tpu.memory_space<hbm>>)
    return
  }
}

module attributes {stable_mosaic.version = 14 : i64} {
  func.func @_dense_t_body(%arg0: i32, %arg1: memref<256x2048xf32, #tpu.memory_space<vmem>>, %arg2: memref<1256x2048xf32, #tpu.memory_space<vmem>>) attributes {dimension_semantics = [#tpu.dimension_semantics<arbitrary>], iteration_bounds = array<i64: 8>, scalar_prefetch = 0 : i64, scratch_operands = 0 : i64, tpu.core_type = #tpu.core_type<tc>, window_params = [{transform_indices = @transform_0, window_bounds = array<i64: 256, 2048>}, {transform_indices = @transform_1, window_bounds = array<i64: 1256, 2048>}]} {
    %get3A = arith.constant 0 : index
    %get3A_0 = arith.constant 0 : index
    %get3A_1 = vector.load %arg1[%get3A, %get3A_0] : memref<256x2048xf32, #tpu.memory_space<vmem>>, vector<256x2048xf32>
    %swap3A = arith.constant 0 : index
    %swap3A_2 = arith.constant 0 : index
    %swap3A_3 = vector.load %arg2[%swap3A, %swap3A_2] : memref<1256x2048xf32, #tpu.memory_space<vmem>>, vector<256x2048xf32>
    tpu.vector_store %arg2[%swap3A, %swap3A_2], %get3A_1 {strides = array<i32>} : memref<1256x2048xf32, #tpu.memory_space<vmem>>, vector<256x2048xf32>,
    %broadcast_in_dim3A = arith.constant 0.000000e+00 : f32
    %broadcast_in_dim3A_4 = vector.broadcast %broadcast_in_dim3A : f32 to vector<1000x2048xf32>
    %swap3A_5 = arith.constant 256 : index
    %swap3A_6 = arith.constant 0 : index
    %swap3A_7 = vector.load %arg2[%swap3A_5, %swap3A_6] : memref<1256x2048xf32, #tpu.memory_space<vmem>>, vector<1000x2048xf32>
    tpu.vector_store %arg2[%swap3A_5, %swap3A_6], %broadcast_in_dim3A_4 {strides = array<i32>} : memref<1256x2048xf32, #tpu.memory_space<vmem>>, vector<1000x2048xf32>,
    return
  }
  func.func @transform_0(%arg0: i32) -> (i32, i32) {
    %c0_i32 = arith.constant 0 : i32
    %c0_i32_0 = arith.constant 0 : i32
    return %c0_i32, %arg0 : i32, i32
  }
  func.func @transform_1(%arg0: i32) -> (i32, i32) {
    %c0_i32 = arith.constant 0 : i32
    %c0_i32_0 = arith.constant 0 : i32
    return %c0_i32, %arg0 : i32, i32
  }
}

</mosaic_0001>

<sc_bundles>
// kernel: kernel.4.cloned.1.call-start
scs
__scs_entry_jumppad:
0x0: {  	(pc) =	sbr.rel $0x88, $3  }
0x1: {  	(tag) =	ssettag $0x0;
	lr =	simm.s32 $0x1  }
0x2: {  	[smem:$0x3F9F] =	sst lr;
	_ =	strace $0xD0000000  }
0x3: {  	_ = 	snop  }
0x4: {  	_ = 	snop  }
0x5: {  	_ = 	snop  }
0x6: {  	_ = 	snop  }
0x7: {  	_ = 	snop  }
__scs_overlays_trampoline_lowered:
0x8: {  	[smem:$0x3FAE] =	sst s0  }
0x9: {  	[smem:$0x3FAF] =	sst s1  }
0xa: {  	[smem:$0x3FB0] =	sst s2  }
0xb: {  	[smem:$0x3FB1] =	sst s3  }
0xc: {  	[smem:$0x3FB2] =	sst s4  }
0xd: {  	[smem:$0x3FB3] =	sst s5  }
0xe: {  	[smem:$0x3FB4] =	sst s6  }
0xf: {  	[smem:$0x3FB5] =	sst s7  }
0x10: {  	[smem:$0x3FB6] =	sst s8  }
0x11: {  	[smem:$0x3FB7] =	sst s9;
	s0 =	simm.s32 @!p0 $0x0  }
0x12: {  	s1 =	sld [smem:$0x3F9D];
	s0 =	simm.s32 @p0 $0x1  }
0x13: {  	[smem:$0x3FB8] =	sst s0;
	s0 =	simm.s32 @!p1 $0x0  }
0x14: {  	s2 =	sld [smem:$0x3F9C];
	s0 =	simm.s32 @p1 $0x1  }
0x15: {  	[smem:$0x3FB9] =	sst s0;
	s0 =	simm.s32 @!p2 $0x0  }
0x16: {  	s3 =	sld [smem:$0x3FDB];
	s0 =	simm.s32 @p2 $0x1  }
0x17: {  	s4 =	simm.s32 $0x1BF5;
	[smem:$0x3FBB] =	sst s0  }
0x18: {  	s0 =	sld [smem:$0x3F9E];
	_ =	swait.ge [sflag:s4], $0x0  }
0x19: {  	s7 =	sld [smem:$0x3F9F]  }
0x1a: {  	s8 =	sadd.s32 $0xFFFFE003, lr  }
0x1b: {  	s9 =	sadd.s32 $0xFFFFFEF7, lr;
	s5 =	simm.s32 $0xFFFFFFFF;
	p2 =	slt.u32 s8, $0xFFFFF086  }
0x1c: {  	p1 =	slt.u32 s9, $0xF7A;
	s5 =	simm.s32 @!p2 $0x0  }
0x1d: {  	s5 =	simm.s32 @p1 $0x1;
	p0 =	seq.s32 s7, s2  }
0x1e: {  	s7 =	smul.u32 @!p0 $0xF7A, s2;
	p2 =	seq.s32 @!p0 s5, $0x0  }
0x1f: {  	s9 =	smul.u32 $0xF7A, s1;
	s8 =	simm.s32 @!p0 $0x1BF5;
	p2 =	por !p2, p0  }
0x20: {  	[sflag:s8] =	ssyncset.s32 @!p0 $0xFFFFF086;
	s6 =	sadd.s32 @!p0 s3, s7;
	s7 =	simm.s32 @!p0 $0x108  }
0x21: {  	s3 =	sadd.s32 s3, s9;
	s6 =	sadd.s32 @!p0 $0x88, s6;
	s7 =	simm.s32 @p2 $0x1082  }
0x22: {  	[simem:s7], [sflag:s8] =	dma.local @!p0 [hbm:s6], $0xF7A  }
0x23: {  	s9 =	sor.u32 $0xD0000000, s2;
	s6 =	simm.s32 $0x108;
	_ =	swait.ge @!p0 [sflag:s8], $0x0  }
0x24: {  	s3 =	sadd.s32 $0x88, s3;
	s6 =	simm.s32 @!p1 $0x1082;
	[sflag:s4] =	ssyncset.s32 $0xFFFFF086  }
0x25: {  	[simem:s6], [sflag:s4] =	dma.local [hbm:s3], $0xF7A  }
0x26: {  	[smem:$0x3F9F] =	sst s1;
	(tag) =	ssettag s2;
	_ =	strace s9  }
0x27: {  	s1 =	sld [smem:$0x3FAF]  }
0x28: {  	s2 =	sld [smem:$0x3FB0]  }
0x29: {  	s4 =	sld [smem:$0x3FB2]  }
0x2a: {  	p0 =	seq.s32 s5, $0x0;
	s5 =	sld [smem:$0x3FB3]  }
0x2b: {  	s6 =	sld [smem:$0x3FB4]  }
0x2c: {  	s7 =	sld [smem:$0x3FB5]  }
0x2d: {  	s3 =	simm.s32 $0x108;
	s8 =	sld [smem:$0x3FB6]  }
0x2e: {  	s3 =	simm.s32 @!p0 $0x1082;
	s9 =	sld [smem:$0x3FB7]  }
0x2f: {  	lr =	sadd.s32 s0, s3;
	s0 =	sld [smem:$0x3FAE]  }
0x30: {  	s3 =	sld [smem:$0x3FB1]  }
0x31: {  	[smem:$0x3FBA] =	sst s10  }
0x32: {  	s10 =	sld [smem:$0x3FB8];
	_ =	sdelay $0x3  }
0x33: {  	p0 =	seq.s32 s10, $0x1;
	s10 =	sld [smem:$0x3FBA];
	_ =	sdelay $0x3  }
0x34: {  	[smem:$0x3FBA] =	sst s10  }
0x35: {  	s10 =	sld [smem:$0x3FB9];
	_ =	sdelay $0x3  }
0x36: {  	p1 =	seq.s32 s10, $0x1;
	s10 =	sld [smem:$0x3FBA];
	_ =	sdelay $0x3  }
0x37: {  	[smem:$0x3FBA] =	sst s10  }
0x38: {  	s10 =	sld [smem:$0x3FBB]  }
0x39: {  	_ = 	snop;
	(pc) =	sbr.ind lr, $3  }
0x3a: {  	_ = 	snop  }
0x3b: {  	_ = 	snop  }
0x3c: {  	p2 =	seq.s32 s10, $0x1;
	s10 =	sld [smem:$0x3FBA]  }
0x3d: {  	_ =	shalt  }
0x3e: {  	_ =	shalt  }
0x3f: {  	_ =	shalt  }
0x40: {  	_ =	shalt  }
0x41: {  	_ =	shalt  }
0x42: {  	_ =	shalt  }
0x43: {  	_ =	shalt  }
0x44: {  	_ =	shalt  }
0x45: {  	_ =	shalt  }
0x46: {  	_ =	shalt  }
0x47: {  	_ =	shalt  }
0x48: {  	_ =	shalt  }
0x49: {  	_ =	shalt  }
0x4a: {  	_ =	shalt  }
0x4b: {  	_ =	shalt  }
0x4c: {  	_ =	shalt  }
0x4d: {  	_ =	shalt  }
0x4e: {  	_ =	shalt  }
0x4f: {  	_ =	shalt  }
0x50: {  	_ =	shalt  }
0x51: {  	_ =	shalt  }
0x52: {  	_ =	shalt  }
0x53: {  	_ =	shalt  }
0x54: {  	_ =	shalt  }
0x55: {  	_ =	shalt  }
0x56: {  	_ =	shalt  }
0x57: {  	_ =	shalt  }
0x58: {  	_ =	shalt  }
0x59: {  	_ =	shalt  }
0x5a: {  	_ =	shalt  }
0x5b: {  	_ =	shalt  }
0x5c: {  	_ =	shalt  }
0x5d: {  	_ =	shalt  }
0x5e: {  	_ =	shalt  }
0x5f: {  	_ =	shalt  }
0x60: {  	_ =	shalt  }
0x61: {  	_ =	shalt  }
0x62: {  	_ =	shalt  }
0x63: {  	_ =	shalt  }
0x64: {  	_ =	shalt  }
0x65: {  	_ =	shalt  }
0x66: {  	_ =	shalt  }
0x67: {  	_ =	shalt  }
0x68: {  	_ =	shalt  }
0x69: {  	_ =	shalt  }
0x6a: {  	_ =	shalt  }
0x6b: {  	_ =	shalt  }
0x6c: {  	_ =	shalt  }
0x6d: {  	_ =	shalt  }
0x6e: {  	_ =	shalt  }
0x6f: {  	_ =	shalt  }
0x70: {  	_ =	shalt  }
0x71: {  	_ =	shalt  }
0x72: {  	_ =	shalt  }
0x73: {  	_ =	shalt  }
0x74: {  	_ =	shalt  }
0x75: {  	_ =	shalt  }
0x76: {  	_ =	shalt  }
0x77: {  	_ =	shalt  }
0x78: {  	_ =	shalt  }
0x79: {  	_ =	shalt  }
0x7a: {  	_ =	shalt  }
0x7b: {  	_ =	shalt  }
0x7c: {  	_ =	shalt  }
0x7d: {  	_ =	shalt  }
0x7e: {  	_ =	shalt  }
0x7f: {  	_ =	shalt  }
0x80: {  	_ =	shalt  }
0x81: {  	_ =	shalt  }
0x82: {  	_ =	shalt  }
0x83: {  	_ =	shalt  }
0x84: {  	_ =	shalt  }
0x85: {  	_ =	shalt  }
0x86: {  	_ =	shalt  }
0x87: {  	_ =	shalt  }
.Lfunc_end0:
.L_simem_size_0:
called_computation_lowered:
.L_overlay_start_0:
0x88: {  	s2 =	sld [smem:$0x3FD9]  }
0x89: {  	s3 =	sld [smem:$0x3FFE];
	_ =	sdelay $0x1  }
0x8a: {  	s1 =	srdreg.scid  }
0x8b: {  	s0 =	sand.u32 $0x1, s1  }
0x8c: {  	s18 =	sshll.u32 s0, $0xA;
	s2 =	sadd.s32 s3, s2  }
0x8d: {  	s2 =	sadd.s32 s2, s18  }
0x8e: {  	[smem:$0x3FC6] =	sst s2  }
0x8f: {  	_ = 	snop  }
0x90: {  	s2 =	sld [smem:$0x3FC8]  }
0x91: {  	s19 =	sld [smem:$0x3FD0];
	(tm) =	ssettm $0x1  }
0x92: {  	s4 =	sld [smem:$0x3FFB];
	_ =	sdelay $0x3  }
0x93: {  	_ =	strace s4  }
0x94: {  	s4 =	sld [smem:$0x3FFC];
	_ =	sdelay $0x3  }
0x95: {  	_ =	strace s4  }
0x96: {  	s4 =	sld [smem:$0x3FFD];
	_ =	sdelay $0x3  }
0x97: {  	_ =	strace s4  }
0x98: {  	_ =	strace $0x8FFFFFFF  }
0x99: {  	s20 =	sld [smem:$0x3FDB];
	_ =	sdelay $0x1  }
0x9a: {  	s5 =	simm.s32 $_scs_section_size  }
0x9b: {  	s6 =	simm.s32 $_size__tile_overlayer_lowered;
	s7 =	simm.s32 $_tile_overlayer_lowered  }
0x9c: {  	s23 =	simm.s32 $0x1BFF;
	s22 =	sshll.u32 s7, $0x1;
	s4 =	sadd.s32 s5, s20  }
0x9d: {  	s8 =	simm.s32 $0x0;
	s21 =	sshll.u32 s6, $0x1;
	s6 =	sadd.s32 s22, s4  }
0x9e: {  	[timem:s8], [sflag:s23] =	dma.local [hbm:s6], s21  }
0x9f: {  	_ =	swait.ge [sflag:s23], s21  }
0xa0: {  	s5 =	ssub.s32 $0x0, s21;
	[sflag:s23] =	ssyncset.done $0x0  }
0xa1: {  	[sflag:s23] =	ssyncadd.s32 s5;
	_ =	sdelay $0x1  }
0xa2: {  	s24 =	simm.s32 $0x1B8B  }
0xa3: {  	_ =	swait.ge [sflag:s24], $0x1  }
0xa4: {  	[sflag:s24] =	ssyncset.done $0x0  }
0xa5: {  	s25 =	simm.s32 $0x1B8E;
	[sflag:s24] =	ssyncadd.s32 $0xFFFFFFFF  }
0xa6: {  	s26 =	simm.s32 $execute0_lowered;
	[smem:$0x3FD2] =	sst s25  }
0xa7: {  	s5 =	sshll.u32 s26, $0x1;
	_ =	strace $0x80000046;
	[dreg:$0x1] =	wrdreg $0xFFFFFFFF  }
0xa8: {  	s28 =	simm.s32 $_size_execute0_lowered;
	s4 =	sadd.s32 s4, s5;
	[dreg:$0x0] =	wrdreg $0x0  }
0xa9: {  	s5 =	sshll.u32 s28, $0x1;
	[dreg:$0x2] =	wrdreg s4  }
0xaa: {  	[dreg:$0x3] =	wrdreg s5  }
0xab: {  	[dreg:$0x4] =	wrdreg $0xC0  }
0xac: {  	_ =	task [dreg:s8], $0x5FFFF  }
0xad: {  	[dreg:$0x1] =	wrdreg $0xFFFFFFFF  }
0xae: {  	[dreg:$0x0] =	wrdreg $0x60  }
0xaf: {  	[dreg:$0x2] =	wrdreg s2  }
0xb0: {  	[dreg:$0x3] =	wrdreg s19  }
0xb1: {  	[dreg:$0x4] =	wrdreg $0x9  }
0xb2: {  	_ =	task.clear_ibuf [dreg:s8], $0x5FFFF;
	_ =	strace $0x90000046  }
0xb3: {  	s29 =	simm.s32 $0x9;
	_ =	strace $0x80000048  }
0xb4: {  	_ =	swait.ge [sflag:s29], $0x1  }
0xb5: {  	[sflag:s29] =	ssyncadd.s32 $0xFFFFFFFF  }
0xb6: {  	_ =	strace $0x90000048  }
0xb7: {  	_ =	sfence  }
0xb8: {  	s30 =	sld [smem:$0x0];
	_ =	sdelay $0x2  }
0xb9: {  	s31 =	sshll.u32 s1, $0xD;
	s1 =	sshrl.u32 s1, $0x2  }
0xba: {  	s3 =	sand.u32 $0x4000, s31;
	s1 =	sadd.s32 s1, s30  }
0xbb: {  	s0 =	sor.u32 s3, s0;
	s1 =	sshll.u32 s1, $0x11  }
0xbc: {  	s0 =	sor.u32 s1, s0  }
0xbd: {  	s0 =	sadd.s32 $0x8F2B, s0  }
0xbe: {  	[sflag:s0] =	ssyncadd.remote.s32 $0x1  }
0xbf: {  	_ =	sfence.sel $0xFFFF  }
0xc0: {  	[dreg:$0x0] =	wrdreg $0xFFFFFFFF;
	(pc) =	sbr.abs _section_cstart, $3  }
0xc1: {  	[dreg:$0x1] =	wrdreg $0xFFFFFFFF  }
0xc2: {  	_ =	task.clear_ibuf [dreg:s8], $0x2FFFF;
	_ =	strace $0x9FFFFFFF  }
0xc3: {  	(tm) =	ssettm $0x7FFFFFFF  }
tec
execute0_lowered:
.L_overlay_start_1:
0x0: {  	(tag) =	ssettag $0x1  }
0x1: {  	s1 =	srdreg.scid  }
0x2: {  	s0 =	stileid.u32;
	s5 =	sand.u32 $0x1, s1  }
0x3: {  	s7 =	sshll.u32 s0, $0xA;
	s2 =	sshll.u32 s5, $0x9  }
0x4: {  	s4 =	sor.u32 s2, s7  }
0x5: {  	v0 =	vmov s4  }
0x6: {  	v26 =	vimm.f32 $1.000000000e+00;
	s1 =	sor.u32 $0x80, s4;
	s8 =	sor.u32 $0x90, s4;
	s9 =	sor.u32 $0xA0, s4;
	v0 =	vshrl.u32 v0, $0x7  }
0x7: {  	s10 =	sor.u32 $0xB0, s4;
	s11 =	sor.u32 $0xC0, s4;
	s12 =	sor.u32 $0xD0, s4;
	v1 =	vmov s1;
	v2 =	vmov s8;
	v3 =	vmov s9  }
0x8: {  	s13 =	sor.u32 $0xE0, s4;
	s14 =	sor.u32 $0xF0, s4;
	s15 =	sor.u32 $0x100, s4;
	v4 =	vmov s10;
	v5 =	vmov s11;
	v6 =	vmov s12  }
0x9: {  	s16 =	sor.u32 $0x110, s4;
	s17 =	sor.u32 $0x120, s4;
	s18 =	sor.u32 $0x130, s4;
	v7 =	vmov s13;
	v8 =	vmov s14;
	v9 =	vmov s15  }
0xa: {  	s19 =	sor.u32 $0x140, s4;
	s20 =	sor.u32 $0x150, s4;
	s21 =	sor.u32 $0x160, s4;
	v10 =	vmov s16;
	v11 =	vmov s17;
	v12 =	vmov s18  }
0xb: {  	s22 =	sor.u32 $0x170, s4;
	s23 =	sor.u32 $0x180, s4;
	s24 =	sor.u32 $0x190, s4;
	v13 =	vmov s19;
	v14 =	vmov s20;
	v15 =	vmov s21  }
0xc: {  	s25 =	sor.u32 $0x1A0, s4;
	s26 =	sor.u32 $0x1B0, s4;
	s28 =	sor.u32 $0x1C0, s4;
	v16 =	vmov s22;
	v17 =	vmov s23;
	v18 =	vmov s24  }
0xd: {  	s29 =	sor.u32 $0x1D0, s4;
	s30 =	sor.u32 $0x1E0, s4;
	s7 =	sor.u32 $0x1F0, s4;
	v19 =	vmov s25;
	v20 =	vmov s26;
	v21 =	vmov s28  }
0xe: {  	v22 =	vmov s29;
	v23 =	vmov s30;
	v24 =	vmov s7  }
0xf: {  	v0 =	vbroadcast v0, $0x0;
	v1 =	vshrl.u32 v1, $0x7;
	v2 =	vshrl.u32 v2, $0x7  }
0x10: {  	v3 =	vshrl.u32 v3, $0x7;
	v4 =	vshrl.u32 v4, $0x7;
	v5 =	vshrl.u32 v5, $0x7  }
0x11: {  	v6 =	vshrl.u32 v6, $0x7;
	v7 =	vshrl.u32 v7, $0x7;
	v8 =	vshrl.u32 v8, $0x7  }
0x12: {  	v9 =	vshrl.u32 v9, $0x7;
	v10 =	vshrl.u32 v10, $0x7;
	v11 =	vshrl.u32 v11, $0x7  }
0x13: {  	v12 =	vshrl.u32 v12, $0x7;
	v13 =	vshrl.u32 v13, $0x7;
	v14 =	vshrl.u32 v14, $0x7  }
0x14: {  	v15 =	vshrl.u32 v15, $0x7;
	v1 =	vbroadcast v1, $0x0;
	v2 =	vbroadcast v2, $0x0  }
0x15: {  	v16 =	vshrl.u32 v16, $0x7;
	v3 =	vbroadcast v3, $0x0;
	v4 =	vbroadcast v4, $0x0  }
0x16: {  	v17 =	vshrl.u32 v17, $0x7;
	v5 =	vbroadcast v5, $0x0;
	v6 =	vbroadcast v6, $0x0  }
0x17: {  	v18 =	vshrl.u32 v18, $0x7;
	v7 =	vbroadcast v7, $0x0;
	v8 =	vbroadcast v8, $0x0  }
0x18: {  	v19 =	vshrl.u32 v19, $0x7;
	v9 =	vbroadcast v9, $0x0;
	v10 =	vbroadcast v10, $0x0  }
0x19: {  	v20 =	vshrl.u32 v20, $0x7;
	v11 =	vbroadcast v11, $0x0;
	v12 =	vbroadcast v12, $0x0  }
0x1a: {  	v21 =	vshrl.u32 v21, $0x7;
	v13 =	vbroadcast v13, $0x0;
	v14 =	vbroadcast v14, $0x0  }
0x1b: {  	v22 =	vshrl.u32 v22, $0x7;
	v15 =	vbroadcast v15, $0x0;
	v16 =	vbroadcast v16, $0x0  }
0x1c: {  	s6 =	rddreg [dreg:$0x0];
	s3 =	simm.s32 $0x0;
	s5 =	ssub.s32 $0x2, s5;
	v23 =	vshrl.u32 v23, $0x7;
	v17 =	vbroadcast v17, $0x0;
	v18 =	vbroadcast v18, $0x0  }
0x1d: {  	[smem:$0x7FF] =	sst s3;
	s31 =	sshrl.u32 s5, $0x1;
	v25 =	vshrl.u32 v24, $0x7;
	v19 =	vbroadcast v19, $0x0;
	v20 =	vbroadcast v20, $0x0  }
0x1e: {  	s2 =	rddreg [dreg:$0x1];
	s5 =	ssub.s32 s5, s31;
	v24 =	vlaneseq.u32;
	v21 =	vbroadcast v21, $0x0;
	v22 =	vbroadcast v22, $0x0  }
0x1f: {  	s4 =	sshrl.u32 s4, $0x3;
	s1 =	rddreg [dreg:$0x2];
	_ =	strace $0x80000047;
	v23 =	vbroadcast v23, $0x0;
	v25 =	vbroadcast v25, $0x0;
	v27 =	vor.u32 $0x10, v24  }
0x20: {  	s4 =	sadd.s32 s6, s4;
	s5 =	smax.u32 s5, $0x1;
	s6 =	simm.s32 $0x1;
	v28 =	vor.u32 $0x20, v24;
	v29 =	vor.u32 $0x30, v24;
	v30 =	vor.u32 $0x40, v24  }
0x21: {  	s7 =	simm.s32 $0x200;
	s8 =	simm.s32 $0x400;
	s9 =	simm.s32 $0x2;
	v31 =	vor.u32 $0x50, v24;
	v32 =	vor.u32 $0x60, v24;
	v33 =	vor.u32 $0x70, v24  }
.LBB2_1:
0x22: {  	[tilespmem:s3], [sflag:$0x1] =	stream.linear.gather [hbm4b:s4+s3], $0x200, $0x38;
	[tilespmem:$0x600] =	vst v63  }
0x23: {  	[tilespmem:$0x400] =	vst v26  }
0x24: {  	[tilespmem:$0x410] =	vst v26  }
0x25: {  	[tilespmem:$0x420] =	vst v26  }
0x26: {  	[tilespmem:$0x430] =	vst v26  }
0x27: {  	[tilespmem:$0x440] =	vst v26  }
0x28: {  	[tilespmem:$0x450] =	vst v26  }
0x29: {  	[tilespmem:$0x460] =	vst v26  }
0x2a: {  	[tilespmem:$0x470] =	vst v26  }
0x2b: {  	[tilespmem:$0x480] =	vst v26  }
0x2c: {  	[tilespmem:$0x490] =	vst v26  }
0x2d: {  	[tilespmem:$0x4A0] =	vst v26  }
0x2e: {  	[tilespmem:$0x4B0] =	vst v26  }
0x2f: {  	[tilespmem:$0x4C0] =	vst v26  }
0x30: {  	[tilespmem:$0x4D0] =	vst v26  }
0x31: {  	[tilespmem:$0x4E0] =	vst v26  }
0x32: {  	[tilespmem:$0x4F0] =	vst v26  }
0x33: {  	[tilespmem:$0x500] =	vst v26  }
0x34: {  	[tilespmem:$0x510] =	vst v26  }
0x35: {  	[tilespmem:$0x520] =	vst v26  }
0x36: {  	[tilespmem:$0x530] =	vst v26  }
0x37: {  	[tilespmem:$0x540] =	vst v26  }
0x38: {  	[tilespmem:$0x550] =	vst v26  }
0x39: {  	[tilespmem:$0x560] =	vst v26  }
0x3a: {  	[tilespmem:$0x570] =	vst v26  }
0x3b: {  	[tilespmem:$0x580] =	vst v26  }
0x3c: {  	[tilespmem:$0x590] =	vst v26  }
0x3d: {  	[tilespmem:$0x5A0] =	vst v26  }
0x3e: {  	[tilespmem:$0x5B0] =	vst v26  }
0x3f: {  	[tilespmem:$0x5C0] =	vst v26  }
0x40: {  	[tilespmem:$0x5D0] =	vst v26  }
0x41: {  	[tilespmem:$0x5E0] =	vst v26  }
0x42: {  	[tilespmem:$0x5F0] =	vst v26  }
0x43: {  	_ =	swait.ge [sflag:s6], $0x200  }
0x44: {  	[sflag:s6] =	ssyncset.done $0x0  }
0x45: {  	[sflag:s6] =	ssyncadd.s32 $0xFFFFFE00  }
0x46: {  	v34 =	vld [tilespmem:$0x0]  }
0x47: {  	v35 =	vld [tilespmem:$0x10]  }
0x48: {  	v37 =	vld [tilespmem:$0x20]  }
0x49: {  	v39 =	vld [tilespmem:$0x30]  }
0x4a: {  	v41 =	vld [tilespmem:$0x40]  }
0x4b: {  	v49 =	vld [tilespmem:$0x50]  }
0x4c: {  	v42 =	vld [tilespmem:$0x60]  }
0x4d: {  	v44 =	vld [tilespmem:$0x70]  }
0x4e: {  	v36 =	vshll.u32 v34, $0x4;
	v38 =	vshll.u32 v35, $0x4;
	v34 =	vshll.u32 v34, $0x7  }
0x4f: {  	v35 =	vshll.u32 v35, $0x7;
	v40 =	vshll.u32 v37, $0x4;
	v37 =	vshll.u32 v37, $0x7  }
0x50: {  	v48 =	vshll.u32 v39, $0x4;
	v51 =	vshll.u32 v41, $0x4;
	v39 =	vshll.u32 v39, $0x7  }
0x51: {  	v56 =	vld [tilespmem:$0x80];
	v41 =	vshll.u32 v41, $0x7;
	v43 =	vshll.u32 v49, $0x4;
	v55 =	vshll.u32 v42, $0x4  }
0x52: {  	v63 =	vld [tilespmem:$0xB0];
	v58 =	vshll.u32 v44, $0x4;
	v42 =	vshll.u32 v42, $0x7;
	v44 =	vshll.u32 v44, $0x7  }
0x53: {  	v36 =	vadd.s32 $0x1000, v36;
	v38 =	vadd.s32 $0x1000, v38;
	v34 =	vand.u32 $0x380, v34  }
0x54: {  	v35 =	vand.u32 $0x380, v35;
	v46 =	vadd.s32 $0x1000, v40;
	v37 =	vand.u32 $0x380, v37  }
0x55: {  	v39 =	vand.u32 $0x380, v39;
	v41 =	vand.u32 $0x380, v41;
	v53 =	vadd.s32 $0x1000, v43  }
0x56: {  	v40 =	vshll.u32 v49, $0x7;
	v42 =	vand.u32 $0x380, v42;
	v44 =	vand.u32 $0x380, v44  }
0x57: {  	v43 =	vshll.u32 v56, $0x7;
	v49 =	vshll.u32 v63, $0x4;
	v36 =	vand.u32 $0x3FFF80, v36  }
0x58: {  	v38 =	vand.u32 $0x3FFF80, v38;
	v47 =	vand.u32 $0x3FFF80, v46;
	v54 =	vand.u32 $0x3FFF80, v53  }
0x59: {  	v40 =	vand.u32 $0x380, v40;
	v46 =	vshll.u32 v56, $0x4;
	v43 =	vand.u32 $0x380, v43  }
0x5a: {  	v36 =	vor.u32 v0, v36;
	v38 =	vor.u32 v0, v38;
	v60 =	vadd.s32 $0x1000, v46  }
0x5b: {  	v46 =	vshll.u32 v63, $0x7;
	v36 =	vshll.u32 v36, $0xA;
	v38 =	vshll.u32 v38, $0xA  }
0x5c: {  	v61 =	vand.u32 $0x3FFF80, v60;
	v46 =	vand.u32 $0x380, v46;
	v34 =	vor.u32 v34, v36  }
0x5d: {  	v45 =	vor.u32 v35, v38;
	v36 =	vor.u32 v0, v47;
	v38 =	vadd.s32 $0x1000, v48  }
0x5e: {  	v35 =	vor.u32 v24, v34;
	v50 =	vand.u32 $0x3FFF80, v38;
	v38 =	vadd.s32 $0x1000, v51  }
0x5f: {  	v47 =	vld [tilespmem:$0xA0];
	v34 =	vor.u32 v27, v45;
	v36 =	vshll.u32 v36, $0xA;
	v38 =	vand.u32 $0x3FFF80, v38  }
0x60: {  	v36 =	vor.u32 v37, v36;
	v37 =	vor.u32 v0, v50;
	v38 =	vor.u32 v0, v38  }
0x61: {  	v45 =	vld [tilespmem:$0x90];
	v36 =	vor.u32 v28, v36;
	v37 =	vshll.u32 v37, $0xA;
	v38 =	vshll.u32 v38, $0xA  }
0x62: {  	v63 =	vld [tilespmem:$0x110];
	v37 =	vor.u32 v39, v37;
	v39 =	vor.u32 v0, v54;
	v52 =	vor.u32 v41, v38  }
0x63: {  	v48 =	vld [tilespmem:$0xC0];
	v38 =	vor.u32 v29, v37;
	v39 =	vshll.u32 v39, $0xA;
	v41 =	vadd.s32 $0x1000, v55  }
0x64: {  	v50 =	vld [tilespmem:$0xD0];
	v53 =	vshll.u32 v47, $0x4;
	v47 =	vshll.u32 v47, $0x7;
	v55 =	vadd.s32 $0x1000, v49  }
0x65: {  	v37 =	vor.u32 v30, v52;
	v39 =	vor.u32 v40, v39;
	v57 =	vand.u32 $0x3FFF80, v41  }
0x66: {  	v41 =	vadd.s32 $0x1000, v58;
	v62 =	vshll.u32 v45, $0x4;
	v45 =	vshll.u32 v45, $0x7  }
0x67: {  	v47 =	vand.u32 $0x380, v47;
	v56 =	vand.u32 $0x3FFF80, v55;
	v55 =	vshll.u32 v63, $0x4  }
0x68: {  	v39 =	vor.u32 v31, v39;
	v40 =	vor.u32 v0, v57;
	v41 =	vand.u32 $0x3FFF80, v41  }
0x69: {  	v51 =	vld [tilespmem:$0xF0];
	v45 =	vand.u32 $0x380, v45;
	v57 =	vshll.u32 v48, $0x4;
	v60 =	vshll.u32 v50, $0x4  }
0x6a: {  	v48 =	vshll.u32 v48, $0x7;
	v50 =	vshll.u32 v50, $0x7;
	v55 =	vadd.s32 $0x1000, v55  }
0x6b: {  	v58 =	vld [tilespmem:$0xE0];
	v40 =	vshll.u32 v40, $0xA;
	v41 =	vor.u32 v0, v41;
	v48 =	vand.u32 $0x380, v48  }
0x6c: {  	v50 =	vand.u32 $0x380, v50;
	v41 =	vshll.u32 v41, $0xA;
	v40 =	vor.u32 v42, v40  }
0x6d: {  	v42 =	vor.u32 v1, v61;
	v59 =	vor.u32 v44, v41;
	v41 =	vor.u32 v32, v40  }
0x6e: {  	v42 =	vshll.u32 v42, $0xA;
	v44 =	vadd.s32 $0x1000, v62;
	v62 =	vshll.u32 v51, $0x4  }
0x6f: {  	v51 =	vshll.u32 v51, $0x7;
	v40 =	vor.u32 v33, v59;
	v42 =	vor.u32 v43, v42  }
0x70: {  	v52 =	vand.u32 $0x3FFF80, v44;
	v44 =	vadd.s32 $0x1000, v53;
	v49 =	vshll.u32 v58, $0x7  }
0x71: {  	v51 =	vand.u32 $0x380, v51;
	v42 =	vor.u32 v24, v42;
	v43 =	vor.u32 v2, v52  }
0x72: {  	v44 =	vand.u32 $0x3FFF80, v44;
	v52 =	vshll.u32 v58, $0x4;
	v49 =	vand.u32 $0x380, v49  }
0x73: {  	v53 =	vld [tilespmem:$0x100];
	v43 =	vshll.u32 v43, $0xA;
	v44 =	vor.u32 v3, v44;
	v52 =	vadd.s32 $0x1000, v52  }
0x74: {  	v44 =	vshll.u32 v44, $0xA;
	v43 =	vor.u32 v45, v43;
	v45 =	vor.u32 v4, v56  }
0x75: {  	v61 =	vand.u32 $0x3FFF80, v52;
	v52 =	vshll.u32 v63, $0x7;
	v54 =	vor.u32 v47, v44  }
0x76: {  	v44 =	vor.u32 v27, v43;
	v45 =	vshll.u32 v45, $0xA;
	v47 =	vadd.s32 $0x1000, v57  }
0x77: {  	v52 =	vand.u32 $0x380, v52;
	v43 =	vor.u32 v28, v54;
	v45 =	vor.u32 v46, v45  }
0x78: {  	v59 =	vand.u32 $0x3FFF80, v47;
	v47 =	vadd.s32 $0x1000, v60;
	v60 =	vshll.u32 v53, $0x4  }
0x79: {  	v56 =	vld [tilespmem:$0x130];
	v53 =	vshll.u32 v53, $0x7;
	v46 =	vor.u32 v5, v59;
	v47 =	vand.u32 $0x3FFF80, v47  }
0x7a: {  	v54 =	vld [tilespmem:$0x120];
	v53 =	vand.u32 $0x380, v53;
	v46 =	vshll.u32 v46, $0xA;
	v47 =	vor.u32 v6, v47  }
0x7b: {  	[tilespmem:$0x220] =	vst v36;
	v36 =	vor.u32 v29, v45;
	v47 =	vshll.u32 v47, $0xA;
	v46 =	vor.u32 v48, v46  }
0x7c: {  	v48 =	vor.u32 v7, v61;
	v61 =	vand.u32 $0x3FFF80, v55;
	v47 =	vor.u32 v50, v47  }
0x7d: {  	v57 =	vld [tilespmem:$0x150];
	v48 =	vshll.u32 v48, $0xA;
	v50 =	vadd.s32 $0x1000, v62;
	v45 =	vor.u32 v30, v46  }
0x7e: {  	v48 =	vor.u32 v49, v48;
	v59 =	vand.u32 $0x3FFF80, v50;
	v50 =	vadd.s32 $0x1000, v60  }
0x7f: {  	v62 =	vshll.u32 v54, $0x4;
	v60 =	vshll.u32 v56, $0x4;
	v54 =	vshll.u32 v54, $0x7  }
0x80: {  	[tilespmem:$0x230] =	vst v38;
	v55 =	vld [tilespmem:$0x140];
	v56 =	vshll.u32 v56, $0x7;
	v38 =	vor.u32 v31, v47;
	v49 =	vor.u32 v8, v59  }
0x81: {  	v50 =	vand.u32 $0x3FFF80, v50;
	v54 =	vand.u32 $0x380, v54;
	v56 =	vand.u32 $0x380, v56  }
0x82: {  	v59 =	vshll.u32 v57, $0x4;
	v57 =	vshll.u32 v57, $0x7;
	v47 =	vor.u32 v32, v48  }
0x83: {  	v49 =	vshll.u32 v49, $0xA;
	v50 =	vor.u32 v9, v50;
	v57 =	vand.u32 $0x380, v57  }
0x84: {  	v58 =	vld [tilespmem:$0x160];
	v50 =	vshll.u32 v50, $0xA;
	v49 =	vor.u32 v51, v49;
	v51 =	vor.u32 v10, v61  }
0x85: {  	v61 =	vshll.u32 v55, $0x4;
	v55 =	vshll.u32 v55, $0x7;
	v50 =	vor.u32 v53, v50  }
0x86: {  	v51 =	vshll.u32 v51, $0xA;
	v53 =	vadd.s32 $0x1000, v62;
	v62 =	vadd.s32 $0x1000, v59  }
0x87: {  	[tilespmem:$0x270] =	vst v40;
	v55 =	vand.u32 $0x380, v55;
	v40 =	vor.u32 v33, v49;
	v51 =	vor.u32 v52, v51  }
0x88: {  	[tilespmem:$0x280] =	vst v42;
	v63 =	vand.u32 $0x3FFF80, v53;
	v53 =	vadd.s32 $0x1000, v60;
	v60 =	vld [tilespmem:$0x170];
	v42 =	vor.u32 v24, v50  }
0x89: {  	v52 =	vor.u32 v11, v63;
	v53 =	vand.u32 $0x3FFF80, v53;
	v63 =	vshll.u32 v58, $0x4  }
0x8a: {  	v58 =	vshll.u32 v58, $0x7;
	v52 =	vshll.u32 v52, $0xA;
	v53 =	vor.u32 v12, v53  }
0x8b: {  	v52 =	vor.u32 v54, v52;
	v53 =	vshll.u32 v53, $0xA;
	v54 =	vadd.s32 $0x1000, v61  }
0x8c: {  	v61 =	vadd.s32 $0x1000, v63;
	v54 =	vand.u32 $0x3FFF80, v54;
	v53 =	vor.u32 v56, v53  }
0x8d: {  	v56 =	vand.u32 $0x3FFF80, v62;
	v54 =	vor.u32 v13, v54;
	v59 =	vshll.u32 v60, $0x4  }
0x8e: {  	v49 =	vld [tilespmem:$0x1C0];
	v56 =	vor.u32 v14, v56;
	v54 =	vshll.u32 v54, $0xA;
	v59 =	vadd.s32 $0x1000, v59  }
0x8f: {  	v54 =	vor.u32 v55, v54;
	v55 =	vshll.u32 v56, $0xA;
	v56 =	vand.u32 $0x3FFF80, v61;
	v61 =	vld [tilespmem:$0x180]  }
0x90: {  	v63 =	vand.u32 $0x380, v58;
	v62 =	vand.u32 $0x3FFF80, v59;
	v59 =	vshll.u32 v60, $0x7;
	v60 =	vld [tilespmem:$0x190]  }
0x91: {  	[tilespmem:$0x200] =	vst v35;
	v56 =	vor.u32 v15, v56;
	v55 =	vor.u32 v57, v55;
	v57 =	vor.u32 v16, v62  }
0x92: {  	[tilespmem:$0x2A0] =	vst v43;
	v43 =	vld [tilespmem:$0x1D0];
	v62 =	vand.u32 $0x380, v59;
	v56 =	vshll.u32 v56, $0xA;
	v57 =	vshll.u32 v57, $0xA  }
0x93: {  	[tilespmem:$0x210] =	vst v34;
	v50 =	vshll.u32 v49, $0x4;
	v34 =	vor.u32 v63, v56;
	v35 =	vor.u32 v62, v57;
	v57 =	vld [tilespmem:$0x1A0]  }
0x94: {  	[tilespmem:$0x2C0] =	vst v45;
	v34 =	vor.u32 v32, v34;
	v45 =	vor.u32 v33, v35;
	v63 =	vshll.u32 v61, $0x4  }
0x95: {  	v56 =	vshll.u32 v60, $0x4;
	v59 =	vadd.s32 $0x1000, v63;
	v63 =	vshll.u32 v61, $0x7  }
0x96: {  	v46 =	vand.u32 $0x3FFF80, v59;
	v58 =	vand.u32 $0x380, v63;
	v59 =	vadd.s32 $0x1000, v56  }
0x97: {  	[tilespmem:$0x240] =	vst v37;
	v63 =	vshll.u32 v60, $0x7;
	v60 =	vor.u32 v27, v51;
	v62 =	vor.u32 v17, v46  }
0x98: {  	v61 =	vand.u32 $0x3FFF80, v59;
	v56 =	vshll.u32 v57, $0x7;
	[tilespmem:$0x310] =	vst v60;
	v60 =	vshll.u32 v43, $0x7  }
0x99: {  	[tilespmem:$0x250] =	vst v39;
	v37 =	vshll.u32 v62, $0xA;
	v62 =	vshll.u32 v57, $0x4;
	v39 =	vor.u32 v18, v61  }
0x9a: {  	[tilespmem:$0x260] =	vst v41;
	v57 =	vand.u32 $0x380, v63;
	v61 =	vor.u32 v28, v52;
	v63 =	vor.u32 v30, v54  }
0x9b: {  	[tilespmem:$0x2B0] =	vst v36;
	v46 =	vld [tilespmem:$0x1B0];
	v37 =	vor.u32 v58, v37;
	v41 =	vadd.s32 $0x1000, v62;
	v39 =	vshll.u32 v39, $0xA  }
0x9c: {  	[tilespmem:$0x2E0] =	vst v47;
	v58 =	vand.u32 $0x380, v56;
	v62 =	vor.u32 v29, v53;
	v53 =	vadd.s32 $0x1000, v50  }
0x9d: {  	[tilespmem:$0x300] =	vst v42;
	v56 =	vshll.u32 v43, $0x4;
	v41 =	vand.u32 $0x3FFF80, v41;
	v36 =	vor.u32 v57, v39  }
0x9e: {  	v54 =	vand.u32 $0x3FFF80, v53;
	v42 =	vadd.s32 $0x1000, v56;
	[tilespmem:$0x330] =	vst v62;
	v62 =	vor.u32 v31, v55  }
0x9f: {  	[tilespmem:$0x320] =	vst v61;
	v61 =	vld [tilespmem:$0x1F0];
	v47 =	vor.u32 v24, v37;
	v41 =	vor.u32 v19, v41;
	v42 =	vand.u32 $0x3FFF80, v42  }
0xa0: {  	v57 =	vld [tilespmem:$0x1E0];
	v41 =	vshll.u32 v41, $0xA;
	v59 =	vshll.u32 v46, $0x4;
	v46 =	vshll.u32 v46, $0x7  }
0xa1: {  	[tilespmem:$0x290] =	vst v44;
	v39 =	vor.u32 v58, v41;
	v41 =	vadd.s32 $0x1000, v59;
	v52 =	vand.u32 $0x380, v46  }
0xa2: {  	[tilespmem:$0x2D0] =	vst v38;
	v58 =	vshll.u32 v49, $0x7;
	v59 =	vor.u32 v22, v42;
	v42 =	vand.u32 $0x380, v60  }
0xa3: {  	[tilespmem:$0x2F0] =	vst v40;
	v49 =	vor.u32 v27, v36;
	v41 =	vand.u32 $0x3FFF80, v41;
	v44 =	vand.u32 $0x380, v58  }
0xa4: {  	[tilespmem:$0x360] =	vst v34;
	v50 =	vor.u32 v28, v39;
	v53 =	vshll.u32 v61, $0x4;
	v60 =	vshll.u32 v61, $0x7  }
0xa5: {  	[tilespmem:$0x340] =	vst v63;
	v41 =	vor.u32 v20, v41;
	v63 =	vshll.u32 v57, $0x4;
	v56 =	vadd.s32 $0x1000, v53  }
0xa6: {  	[tilespmem:$0x370] =	vst v45;
	v51 =	vshll.u32 v41, $0xA;
	v41 =	vor.u32 v21, v54;
	v48 =	vadd.s32 $0x1000, v63  }
0xa7: {  	[tilespmem:$0x350] =	vst v62;
	v58 =	vand.u32 $0x3FFF80, v56;
	v40 =	vor.u32 v52, v51;
	v41 =	vshll.u32 v41, $0xA  }
0xa8: {  	[tilespmem:$0x380] =	vst v47;
	v37 =	vand.u32 $0x3FFF80, v48;
	v52 =	vshll.u32 v57, $0x7;
	v36 =	vor.u32 v25, v58  }
0xa9: {  	[tilespmem:$0x390] =	vst v49;
	v38 =	vor.u32 v44, v41;
	v41 =	vshll.u32 v59, $0xA;
	v51 =	vor.u32 v23, v37  }
0xaa: {  	[tilespmem:$0x3A0] =	vst v50;
	v55 =	vand.u32 $0x380, v52;
	v57 =	vor.u32 v29, v40;
	v36 =	vshll.u32 v36, $0xA  }
0xab: {  	v37 =	vand.u32 $0x380, v60;
	v41 =	vor.u32 v42, v41;
	[tilespmem:$0x3B0] =	vst v57;
	v59 =	vor.u32 v30, v38  }
0xac: {  	v54 =	vshll.u32 v51, $0xA;
	v62 =	vor.u32 v37, v36;
	[tilespmem:$0x3C0] =	vst v59;
	v61 =	vor.u32 v31, v41  }
0xad: {  	v34 =	vor.u32 v55, v54;
	v63 =	vor.u32 v33, v62;
	[tilespmem:$0x3D0] =	vst v61  }
0xae: {  	p0 =	sne.s32 s5, $0x1;
	v34 =	vor.u32 v32, v34;
	[tilespmem:$0x3F0] =	vst v63  }
.Ltmp0:
0xaf: {  	[tilespmem:$0x3E0] =	vst v34;
	(pc) =	sbr.rel @p0 .LBB2_1-.Ltmp0, $4  }
0xb0: {  	[hbm4b:s2+s7] =	stream.indirect.scatter [tilespmem:s8], [sflag:$0x2], $0x1, s7, s7, $0xb8;
	[tilespmem:$0x600] =	vst v63  }
0xb1: {  	_ =	swait.ge [sflag:s9], $0x200  }
0xb2: {  	[sflag:s9] =	ssyncset.done $0x0  }
0xb3: {  	s5 =	sadd.s32 $0xFFFFFFFF, s5;
	[sflag:s9] =	ssyncadd.s32 $0xFFFFFE00  }
0xb4: {  	_ =	sfence.sel $0x180000  }
0xb5: {  	[bflag:$0x0] =	sbarrier.arrive $0xFFFF  }
0xb6: {  	p0 =	sne.s32 s0, $0x0;
	_ =	strace $0x90000047  }
0xb7: {  	s0 =	sadd.s32 @!p0 $0x100000, s1;
	[bflag:$0x2] =	sbarrier.arrive $0xFFFF  }
0xb8: {  	[sflag:s0] =	ssyncadd.tile.s32 @!p0 $0x1;
	_ =	shalt  }
.Lfunc_end2:
_tile_overlayer_lowered:
.L_overlay_start_2:
0xb9: {  	(tag) =	ssettag $0x2  }
0xba: {  	s0 =	rddreg [dreg:$0x0];
	s2 =	stileid.u32  }
0xbb: {  	s1 =	rddreg [dreg:$0x1];
	p0 =	sne.s32 s2, $0x0  }
0xbc: {  	s3 =	rddreg [dreg:$0x2];
	[bflag:$0x3] =	sbarrier.arrive $0xFFFF;
	s2 =	simm.s32 @!p0 $0x1C03  }
0xbd: {  	[timem:s3], [sflag:s2] =	dma.local @!p0 [hbm:s0], s1  }
0xbe: {  	s0 =	simm.s32 @!p0 $0x3  }
0xbf: {  	_ =	swait.ge @!p0 [sflag:s0], s1  }
0xc0: {  	s1 =	ssub.s32 @!p0 $0x0, s1;
	[sflag:s0] =	ssyncset.done @!p0 $0x0  }
0xc1: {  	[sflag:s0] =	ssyncadd.s32 @!p0 s1  }
0xc2: {  	[bflag:$0x3] =	sbarrier.arrive $0xFFFF  }
0xc3: {  	_ =	shalt  }

</sc_bundles>
